<compile_context>
chip_gen: v7x
topology: tpu7x:2x2x1
jax: 0.10.2.dev20260603
libtpu: 0.0.44.dev20260713+nightly
codegen_flags: <defaults>
</compile_context>

<pallas_src>
import functools
import math

import jax
import jax.numpy as jnp
import numpy as np
from jax import lax
from jax.experimental import pallas as pl
from jax.experimental.pallas import tpu as pltpu

S, B, D, NHEAD, FF, L = 2048, 4, 1024, 2, 1024, 12
DH = D // NHEAD
_ARCH_NS = [8, 4, 4, 5, 3, 5, 6, 3, 4]
_HEADW = 64 + 32 + 8 * len(_ARCH_NS)
_HP = jax.lax.Precision.HIGHEST




def _tf2x32(k1, k2, x1, x2):
    def rotl(x, d):
        return ((x << np.uint32(d)) | (x >> np.uint32(32 - d))).astype(np.uint32)
    ks = [np.uint32(k1), np.uint32(k2),
          np.uint32(k1) ^ np.uint32(k2) ^ np.uint32(0x1BD11BDA)]
    rots = [[13, 15, 26, 6], [17, 29, 16, 24]]
    x0 = (x1 + ks[0]).astype(np.uint32)
    y = (x2 + ks[1]).astype(np.uint32)
    for i in range(5):
        for r in rots[i % 2]:
            x0 = (x0 + y).astype(np.uint32)
            y = rotl(y, r)
            y = x0 ^ y
        x0 = (x0 + ks[(i + 1) % 3]).astype(np.uint32)
        y = (y + ks[(i + 2) % 3] + np.uint32(i + 1)).astype(np.uint32)
    return x0, y


def _np_split(key):
    b1, b2 = _tf2x32(key[0], key[1], np.zeros(2, np.uint32),
                     np.arange(2, dtype=np.uint32))
    return np.stack([b1, b2], -1)


def _np_gumbel(key, shape):
    n = int(np.prod(shape))
    idx = np.arange(n, dtype=np.uint64)
    c1 = (idx >> np.uint64(32)).astype(np.uint32)
    c2 = (idx & np.uint64(0xFFFFFFFF)).astype(np.uint32)
    b1, b2 = _tf2x32(key[0], key[1], c1, c2)
    bits = (b1 ^ b2).reshape(shape)
    fb = (bits >> np.uint32(9)) | np.uint32(0x3F800000)
    u = fb.view(np.float32) - np.float32(1.0)
    tiny = np.float32(np.finfo(np.float32).tiny)
    u = np.maximum(tiny, u * (np.float32(1.0) - tiny) + tiny)
    return -np.log(-np.log(u))


def _build_noise():
    key = np.array([0, 42], np.uint32)
    gts, gos, gss, gas = [], [], [], []

    def nxt():
        nonlocal key
        ks = _np_split(key)
        key = ks[0]
        return ks[1]

    def pad(a, w):
        return np.pad(a, ((0, 0), (0, w - a.shape[1])))

    for i in range(L):
        gts.append(_np_gumbel(nxt(), (B, 8)))
        gos.append(pad(_np_gumbel(nxt(), (B, 6)), 8))
        gss.append(pad(_np_gumbel(nxt(), (B, L - i)), 16))
        for n in _ARCH_NS:
            gas.append(pad(_np_gumbel(nxt(), (B, n)), 8))
    g8 = np.concatenate(gts + gos + gas, 0)
    g8 = np.pad(g8, ((0, 0), (0, 8)))
    gs = np.concatenate(gss, 0)
    g = np.concatenate([g8, gs], 0)
    return np.pad(g, ((0, 192), (0, 0)))


_NOISE = _build_noise()
_SKIP_VALID = np.arange(16)[None, :] < (L - np.arange(L))[:, None]
_NOISE_T = _NOISE.reshape(-1, 16, 16).transpose(0, 2, 1).copy()
_PERMI = np.zeros((8, 16), np.int32)
for _j, _d in enumerate((8, 4, 2, 1)):
    _PERMI[_j] = np.arange(16, dtype=np.int32) ^ _d


def _prep_kernel(state0_ref, wqkv_ref, bqkv_ref, u_ref):
    s0 = state0_ref[...]
    q0 = jnp.dot(s0, wqkv_ref[:, :D],
                 preferred_element_type=jnp.float32, precision=_HP) + bqkv_ref[0:1, :D]
    scale = 1.0 / math.sqrt(DH)
    cols = []
    for b in range(B):
        for h in range(NHEAD):
            qh = q0[b:b + 1, DH * h:DH * (h + 1)]
            wk_h = wqkv_ref[:, D + DH * h:D + DH * (h + 1)]
            cols.append(jnp.dot(wk_h, qh.T,
                                preferred_element_type=jnp.float32, precision=_HP) * scale)
    u_ref[...] = jnp.concatenate(cols, axis=1)


_BLK = 256
_NBLK = S // _BLK


def _attn_stream_kernel(state_ref, u_ref, ws_ref, m_ref, d_ref, acc_ref):
    i = pl.program_id(0)

    @pl.when(i == 0)
    def _init():
        m_ref[...] = jnp.full((1, B * NHEAD), -1e30, jnp.float32)
        d_ref[...] = jnp.zeros((1, B * NHEAD), jnp.float32)
        acc_ref[...] = jnp.zeros((B * NHEAD, D), jnp.float32)

    uv = u_ref[...]
    sc_list = []
    st_list = []
    for b in range(B):
        st_b = state_ref[:, b, :]
        st_list.append(st_b)
        sc_list.append(jnp.dot(st_b, uv[:, 2 * b:2 * b + 2],
                               preferred_element_type=jnp.float32))
    sc = jnp.concatenate(sc_list, axis=1)
    m_old = m_ref[...]
    m_new = jnp.maximum(m_old, jnp.max(sc, axis=0, keepdims=True))
    corr = jnp.exp(m_old - m_new)
    p = jnp.exp(sc - m_new)
    m_ref[...] = m_new
    d_ref[...] = d_ref[...] * corr + jnp.sum(p, axis=0, keepdims=True)
    p_t = p.T
    upd = []
    for b in range(B):
        upd.append(jnp.dot(p_t[2 * b:2 * b + 2, :], st_list[b],
                           preferred_element_type=jnp.float32))
    acc_ref[...] = acc_ref[...] * corr.reshape(B * NHEAD, 1) + \
        jnp.concatenate(upd, axis=0)

    @pl.when(i == _NBLK - 1)
    def _fin():
        ws_ref[...] = acc_ref[...] / d_ref[...].reshape(B * NHEAD, 1)


def _post_kernel(ws_ref, s0_ref, wv_ref, bv_ref, wo_ref, bo_ref,
                 g1_ref, b1_ref, wff1_ref, bff1_ref, wff2_ref, bff2_ref,
                 g2_ref, b2_ref, wheads_ref, bheads_ref,
                 wt_ref, bt_ref, wo2_ref, bo2_ref, wsk_ref, bsk_ref, out_ref):
    ws = ws_ref[...]
    o_parts = []
    for h in range(NHEAD):
        wsh = jnp.concatenate([ws[2 * b + h:2 * b + h + 1, :] for b in range(B)],
                              axis=0)
        o_parts.append(jnp.dot(wsh, wv_ref[:, DH * h:DH * (h + 1)],
                               preferred_element_type=jnp.float32, precision=_HP))
    o0 = jnp.concatenate(o_parts, axis=1) + bv_ref[...]

    def ln(x, g, b):
        mu = jnp.mean(x, axis=1, keepdims=True)
        v = jnp.mean((x - mu) ** 2, axis=1, keepdims=True)
        return (x - mu) / jnp.sqrt(v + 1e-5) * g + b

    y0 = s0_ref[...] + jnp.dot(o0, wo_ref[...],
                               preferred_element_type=jnp.float32, precision=_HP) + bo_ref[...]
    x1 = ln(y0, g1_ref[...], b1_ref[...])
    h1 = jnp.maximum(jnp.dot(x1, wff1_ref[...],
                             preferred_element_type=jnp.float32, precision=_HP) + bff1_ref[...], 0.0)
    ffo = jnp.dot(h1, wff2_ref[...],
                  preferred_element_type=jnp.float32, precision=_HP) + bff2_ref[...]
    hid = ln(x1 + ffo, g2_ref[...], b2_ref[...])
    headl = jnp.dot(hid, wheads_ref[...],
                    preferred_element_type=jnp.float32, precision=_HP) + bheads_ref[...]

    tcom = headl[:, 0:64]
    ocom = headl[:, 64:96]
    TL = jnp.dot(tcom, wt_ref[...],
                 preferred_element_type=jnp.float32, precision=_HP) + bt_ref[...]
    OL = jnp.dot(ocom, wo2_ref[...],
                 preferred_element_type=jnp.float32, precision=_HP) + bo2_ref[...]
    SLP = jnp.dot(tcom, wsk_ref[...],
                  preferred_element_type=jnp.float32, precision=_HP) + bsk_ref[...]
    tlb = jnp.concatenate([TL[:, 8 * i:8 * i + 8] for i in range(L)], axis=0)
    olb = jnp.concatenate([OL[:, 8 * i:8 * i + 8] for i in range(L)], axis=0)
    slb = jnp.concatenate([SLP[:, 16 * i:16 * i + 16] for i in range(L)], axis=0)
    arch_b = jnp.concatenate(
        [headl[:, 96 + 8 * k:96 + 8 * k + 8] for k in range(len(_ARCH_NS))],
        axis=0)
    arch_lp = _lsm(arch_b)
    lp8 = jnp.concatenate([_lsm(tlb), _lsm(olb)] + [arch_lp] * L, axis=0)
    lp8 = jnp.concatenate(
        [lp8, jnp.full((528, 8), -1e30, jnp.float32)], axis=1)
    lane = lax.broadcasted_iota(jnp.int32, (192, 16), 1)
    padrows = jnp.where(lane == 0, 0.0, -1e30)
    out_ref[...] = jnp.concatenate([lp8, _lsm(slb), padrows], axis=0)


def _lsm(x):
    m = jnp.max(x, axis=1, keepdims=True)
    e = jnp.exp(x - m)
    return x - (m + jnp.log(jnp.sum(e, axis=1, keepdims=True)))


def _pick(lp, g):
    z = lp + g
    m = jnp.max(z, axis=1, keepdims=True)
    lane = lax.broadcasted_iota(jnp.int32, z.shape, 1)
    idx = jnp.min(jnp.where(z >= m, lane, 9999), axis=1, keepdims=True)
    return jnp.sum(jnp.where(lane == idx, lp, 0.0), axis=1, keepdims=True)


_NDRAW = 576
_NW = 32
_NPAD = 768
_RPW = _NPAD // _NW


_NSTRIP = _NPAD // 16


@functools.lru_cache(maxsize=None)
def _get_pick_sc():
    from jax.experimental.pallas import tpu_sc as plsc
    mesh = plsc.VectorSubcoreMesh(core_axis_name="c", subcore_axis_name="s")

    @functools.partial(
        pl.kernel,
        mesh=mesh,
        out_type=jax.ShapeDtypeStruct((_NW * 8, 16), jnp.float32),
        scratch_types=[
            pltpu.VMEM((16, 16), jnp.float32),
            pltpu.VMEM((16, 16), jnp.float32),
            pltpu.VMEM((8, 16), jnp.float32),
        ],
    )
    def _pick_sc(lpt_hbm, gt_hbm, out_hbm, lp_v, g_v, acc_v):
        wid = lax.axis_index("s") * 2 + lax.axis_index("c")
        zeros = jnp.zeros((16,), jnp.float32)

        def strip_chosen(s):
            pltpu.sync_copy(lpt_hbm.at[s], lp_v)
            pltpu.sync_copy(gt_hbm.at[s], g_v)
            zs = [lp_v[j] + g_v[j] for j in range(16)]
            m = zs[0]
            for j in range(1, 16):
                m = jnp.maximum(m, zs[j])
            chosen = zeros
            for j in range(16):
                chosen = chosen + jnp.where(zs[j] >= m, lp_v[j], zeros)
            return chosen

        acc_v[0] = strip_chosen(wid)

        @pl.when(wid < 16)
        def _second():
            acc_v[1] = strip_chosen(wid + 32)

        @pl.when(wid >= 16)
        def _nosecond():
            acc_v[1] = zeros

        for j in range(2, 8):
            acc_v[j] = zeros
        pltpu.sync_copy(acc_v, out_hbm.at[pl.ds(pl.multiple_of(wid * 8, 8), 8)])

    return _pick_sc


def kernel(state, W_qkv, b_qkv, W_o, b_o, ln1_g, ln1_b, W_ff1, b_ff1, W_ff2,
           b_ff2, ln2_g, ln2_b, W_tc, b_tc, W_oc, b_oc, W_type, b_type,
           W_opcnt, b_opcnt, W_skip, b_skip, W_conv_kernel_size,
           b_conv_kernel_size, W_conv_out_channels, b_conv_out_channels,
           W_conv_stride, b_conv_stride, W_linear_out_features,
           b_linear_out_features, W_mha_num_heads, b_mha_num_heads,
           W_mha_dropout, b_mha_dropout, W_activate_fn, b_activate_fn,
           W_dropout_p, b_dropout_p, W_bn_momentum, b_bn_momentum):
    f32 = jnp.float32

    u = pl.pallas_call(
        _prep_kernel,
        out_shape=jax.ShapeDtypeStruct((D, B * NHEAD), f32),
    )(state[0], W_qkv, b_qkv.reshape(1, -1))

    arch_ws = [W_activate_fn, W_bn_momentum, W_conv_kernel_size,
               W_conv_out_channels, W_conv_stride, W_dropout_p,
               W_linear_out_features, W_mha_dropout, W_mha_num_heads]
    arch_bs = [b_activate_fn, b_bn_momentum, b_conv_kernel_size,
               b_conv_out_channels, b_conv_stride, b_dropout_p,
               b_linear_out_features, b_mha_dropout, b_mha_num_heads]
    arch_ws = [jnp.pad(w, ((0, 0), (0, 8 - w.shape[1]))) for w in arch_ws]
    arch_bs = [jnp.pad(bb, (0, 8 - bb.shape[0]), constant_values=-1e30)
               for bb in arch_bs]
    wheads = jnp.concatenate([W_tc, W_oc] + arch_ws, axis=1)
    bheads = jnp.concatenate([b_tc, b_oc] + arch_bs).reshape(1, -1)

    ws = pl.pallas_call(
        _attn_stream_kernel,
        grid=(_NBLK,),
        in_specs=[
            pl.BlockSpec((_BLK, B, D), lambda i: (i, 0, 0)),
            pl.BlockSpec((D, B * NHEAD), lambda i: (0, 0)),
        ],
        out_specs=pl.BlockSpec((B * NHEAD, D), lambda i: (0, 0)),
        out_shape=jax.ShapeDtypeStruct((B * NHEAD, D), f32),
        scratch_shapes=[
            pltpu.VMEM((1, B * NHEAD), f32),
            pltpu.VMEM((1, B * NHEAD), f32),
            pltpu.VMEM((B * NHEAD, D), f32),
        ],
    )(state, u)

    wt = W_type.transpose(1, 0, 2).reshape(64, L * 8)
    bt = b_type.reshape(1, L * 8)
    wo2 = jnp.pad(W_opcnt.transpose(1, 0, 2),
                  ((0, 0), (0, 0), (0, 2))).reshape(32, L * 8)
    bo2 = jnp.pad(b_opcnt, ((0, 0), (0, 2)),
                  constant_values=-1e30).reshape(1, L * 8)
    wsk = jnp.pad(W_skip.transpose(1, 0, 2),
                  ((0, 0), (0, 0), (0, 4))).reshape(64, L * 16)
    bskp = jnp.pad(b_skip, ((0, 0), (0, 4)))
    bsk = jnp.where(_SKIP_VALID, bskp, -1e30).reshape(1, L * 16)

    lp = pl.pallas_call(
        _post_kernel,
        out_shape=jax.ShapeDtypeStruct((_NPAD, 16), f32),
    )(ws, state[0], W_qkv[:, 2 * D:], b_qkv[2 * D:].reshape(1, -1),
      W_o, b_o.reshape(1, -1), ln1_g.reshape(1, -1), ln1_b.reshape(1, -1),
      W_ff1, b_ff1.reshape(1, -1), W_ff2, b_ff2.reshape(1, -1),
      ln2_g.reshape(1, -1), ln2_b.reshape(1, -1), wheads, bheads,
      wt, bt, wo2, bo2, wsk, bsk)

    lpt = lp.reshape(_NSTRIP, 16, 16).transpose(0, 2, 1)
    out32 = _get_pick_sc()(lpt, jnp.asarray(_NOISE_T))
    o = out32.reshape(_NW, 8, 16)
    chosen = jnp.concatenate([o[:, 0, :], o[:16, 1, :]], axis=0)
    return jnp.sum(chosen.reshape(_NSTRIP, 4, B), axis=(0, 1))

# --- scband reference (transcript-rebuilt; emitter-appended) ---
"""Pipeline reference for scband-policy-gradient-network-69698729280139 (READ-ONLY COPY).

The authoritative reference and input builder live on the scoring server;
editing this copy changes nothing except your own understanding.
"""

import jax, jax.numpy as jnp
import numpy as np

D = 1024
NHEAD = 2
FF = 1024
L = 12
S = 2048
B = 4
ARCH_HEADS = {"conv_kernel_size": 4, "conv_out_channels": 5, "conv_stride": 3, "linear_out_features": 6, "mha_num_heads": 4, "mha_dropout": 3, "activate_fn": 8, "dropout_p": 5, "bn_momentum": 4}


def setup_inputs(seed: int = 0) -> dict:
    key = jax.random.key(seed)
    keys = jax.random.split(key, 64)
    ki = iter(keys)

    def nrm(shape):
        return jax.random.normal(next(ki), shape, dtype=jnp.float32) * 0.02

    inp = {}
    inp["state"] = jax.random.normal(next(ki), (S, B, D), dtype=jnp.float32)
    inp["W_qkv"] = nrm((D, 3 * D)); inp["b_qkv"] = jnp.zeros((3 * D,), jnp.float32)
    inp["W_o"] = nrm((D, D)); inp["b_o"] = jnp.zeros((D,), jnp.float32)
    inp["ln1_g"] = jnp.ones((D,), jnp.float32); inp["ln1_b"] = jnp.zeros((D,), jnp.float32)
    inp["W_ff1"] = nrm((D, FF)); inp["b_ff1"] = jnp.zeros((FF,), jnp.float32)
    inp["W_ff2"] = nrm((FF, D)); inp["b_ff2"] = jnp.zeros((D,), jnp.float32)
    inp["ln2_g"] = jnp.ones((D,), jnp.float32); inp["ln2_b"] = jnp.zeros((D,), jnp.float32)
    inp["W_tc"] = nrm((D, 64)); inp["b_tc"] = jnp.zeros((64,), jnp.float32)
    inp["W_oc"] = nrm((D, 32)); inp["b_oc"] = jnp.zeros((32,), jnp.float32)
    inp["W_type"] = nrm((L, 64, 8)); inp["b_type"] = jnp.zeros((L, 8), jnp.float32)
    inp["W_opcnt"] = nrm((L, 32, 6)); inp["b_opcnt"] = jnp.zeros((L, 6), jnp.float32)
    inp["W_skip"] = nrm((L, 64, L)); inp["b_skip"] = jnp.zeros((L, L), jnp.float32)
    for name, n in ARCH_HEADS.items():
        inp["W_" + name] = nrm((D, n)); inp["b_" + name] = jnp.zeros((n,), jnp.float32)
    return inp


def _ln(x, g, b):
    m = jnp.mean(x, axis=-1, keepdims=True)
    v = jnp.var(x, axis=-1, keepdims=True)
    return (x - m) / jnp.sqrt(v + 1e-5) * g + b


def _forward(state, W_qkv, b_qkv, W_o, b_o, ln1_g, ln1_b, W_ff1, b_ff1, W_ff2, b_ff2, ln2_g, ln2_b, W_tc, b_tc, W_oc, b_oc, W_type, b_type, W_opcnt, b_opcnt, W_skip, b_skip, **arch):
    s, bsz, d = state.shape
    dh = d // NHEAD
    qkv = state @ W_qkv + b_qkv
    q, k, v = jnp.split(qkv, 3, axis=-1)

    def heads(t):
        return t.reshape(s, bsz, NHEAD, dh).transpose(1, 2, 0, 3)

    qh, kh, vh = heads(q), heads(k), heads(v)
    att = jax.nn.softmax(qh @ kh.transpose(0, 1, 3, 2) / jnp.asarray(dh, jnp.float32) ** 0.5, axis=-1)
    o = (att @ vh).transpose(2, 0, 1, 3).reshape(s, bsz, d)
    x = _ln(state + o @ W_o + b_o, ln1_g, ln1_b)
    ff = jax.nn.relu(x @ W_ff1 + b_ff1) @ W_ff2 + b_ff2
    x = _ln(x + ff, ln2_g, ln2_b)
    hid = x[0]  # [B, D] controller hidden state
    tcom = hid @ W_tc + b_tc
    ocom = hid @ W_oc + b_oc
    key = jax.random.key(42)
    total_lp = jnp.zeros((bsz,), jnp.float32)
    for i in range(L):
        logits = tcom @ W_type[i] + b_type[i]
        lp = jax.nn.log_softmax(logits, axis=-1)
        key, sk = jax.random.split(key)
        a = jax.random.categorical(sk, lp, axis=-1)
        total_lp = total_lp + jnp.take_along_axis(lp, a[:, None], axis=1)[:, 0]
        ol = ocom @ W_opcnt[i] + b_opcnt[i]
        olp = jax.nn.log_softmax(ol, axis=-1)
        key, sk = jax.random.split(key)
        oa = jax.random.categorical(sk, olp, axis=-1)
        total_lp = total_lp + jnp.take_along_axis(olp, oa[:, None], axis=1)[:, 0]
        sl = (tcom @ W_skip[i] + b_skip[i])[:, : L - i]
        slp = jax.nn.log_softmax(sl, axis=-1)
        key, sk = jax.random.split(key)
        sa = jax.random.categorical(sk, slp, axis=-1)
        total_lp = total_lp + jnp.take_along_axis(slp, sa[:, None], axis=1)[:, 0]
        for name in sorted(arch):
            if not name.startswith("W_"):
                continue
            Wk = arch[name]
            bk = arch["b_" + name[2:]]
            al = hid @ Wk + bk
            alp = jax.nn.log_softmax(al, axis=-1)
            key, sk = jax.random.split(key)
            aa = jax.random.categorical(sk, alp, axis=-1)
            total_lp = total_lp + jnp.take_along_axis(alp, aa[:, None], axis=1)[:, 0]
    return total_lp


def reference(state, W_qkv, b_qkv, W_o, b_o, ln1_g, ln1_b, W_ff1, b_ff1, W_ff2, b_ff2, ln2_g, ln2_b, W_tc, b_tc, W_oc, b_oc, W_type, b_type, W_opcnt, b_opcnt, W_skip, b_skip, W_conv_kernel_size, b_conv_kernel_size, W_conv_out_channels, b_conv_out_channels, W_conv_stride, b_conv_stride, W_linear_out_features, b_linear_out_features, W_mha_num_heads, b_mha_num_heads, W_mha_dropout, b_mha_dropout, W_activate_fn, b_activate_fn, W_dropout_p, b_dropout_p, W_bn_momentum, b_bn_momentum):
    return _forward(
        state=state, W_qkv=W_qkv, b_qkv=b_qkv, W_o=W_o, b_o=b_o,
        ln1_g=ln1_g, ln1_b=ln1_b, W_ff1=W_ff1, b_ff1=b_ff1,
        W_ff2=W_ff2, b_ff2=b_ff2, ln2_g=ln2_g, ln2_b=ln2_b,
        W_tc=W_tc, b_tc=b_tc, W_oc=W_oc, b_oc=b_oc,
        W_type=W_type, b_type=b_type, W_opcnt=W_opcnt, b_opcnt=b_opcnt,
        W_skip=W_skip, b_skip=b_skip,
        W_conv_kernel_size=W_conv_kernel_size, b_conv_kernel_size=b_conv_kernel_size,
        W_conv_out_channels=W_conv_out_channels, b_conv_out_channels=b_conv_out_channels,
        W_conv_stride=W_conv_stride, b_conv_stride=b_conv_stride,
        W_linear_out_features=W_linear_out_features, b_linear_out_features=b_linear_out_features,
        W_mha_num_heads=W_mha_num_heads, b_mha_num_heads=b_mha_num_heads,
        W_mha_dropout=W_mha_dropout, b_mha_dropout=b_mha_dropout,
        W_activate_fn=W_activate_fn, b_activate_fn=b_activate_fn,
        W_dropout_p=W_dropout_p, b_dropout_p=b_dropout_p,
        W_bn_momentum=W_bn_momentum, b_bn_momentum=b_bn_momentum,
    )

if __name__ == "__main__":
    import jax
    _d = setup_inputs()
    print(jax.jit(kernel)(*tuple(_d.values())))

</pallas_src>

<mosaic_0001>
#map = affine_map<(d0, d1) -> (0, 0, 0)>
#map1 = affine_map<(d0, d1) -> (0, 0)>
module attributes {stable_mosaic.version = 14 : i64} {
  func.func @_pick_sc(%arg0: i32, %arg1: i32, %arg2: memref<48x16x16xf32, #tpu.memory_space<hbm>>, %arg3: memref<48x16x16xf32, #tpu.memory_space<hbm>>, %arg4: memref<256x16xf32, #tpu.memory_space<hbm>>, %arg5: memref<16x16xf32, #tpu.memory_space<vmem>>, %arg6: memref<16x16xf32, #tpu.memory_space<vmem>>, %arg7: memref<8x16xf32, #tpu.memory_space<vmem>>) attributes {dimension_semantics = [#tpu.dimension_semantics<core_parallel>, #tpu.dimension_semantics<subcore_parallel>], iteration_bounds = array<i64: 2, 16>, scalar_prefetch = 0 : i64, scratch_operands = 3 : i64, tpu.core_type = #tpu.core_type<sc_vector_subcore>, window_params = [{transform_indices = #map}, {transform_indices = #map}, {transform_indices = #map1}]} {
    %mul3A = arith.constant 2 : i32
    %mul3A_0 = arith.muli %arg1, %mul3A : i32
    %add3A = arith.addi %mul3A_0, %arg0 : i32
    %broadcast_in_dim3A = arith.constant 0.000000e+00 : f32
    %broadcast_in_dim3A_1 = vector.broadcast %broadcast_in_dim3A : f32 to vector<16xf32>
    "tpu.region"() ({
      %run_scoped3A = tpu.sem_alloc : memref<!tpu.dma_semaphore, #tpu.memory_space<semaphore_mem>>
      %dma_start3A = arith.constant 0 : i32
      %dma_start3A_367 = arith.constant 0 : i32
      %dma_start3A_368 = tpu.memref_slice %arg2[%add3A, %dma_start3A, %dma_start3A_367] : memref<48x16x16xf32, #tpu.memory_space<hbm>> -> memref<1x16x16xf32, #tpu.memory_space<hbm>>
      %dma_start3A_369 = tpu.memref_squeeze %dma_start3A_368 : memref<1x16x16xf32, #tpu.memory_space<hbm>> -> memref<16x16xf32, #tpu.memory_space<hbm>>
      %dma_start3A_370 = arith.constant 0 : i32
      %dma_start3A_371 = arith.constant 0 : i32
      %dma_start3A_372 = tpu.memref_slice %arg2[%add3A, %dma_start3A_370, %dma_start3A_371] : memref<48x16x16xf32, #tpu.memory_space<hbm>> -> memref<1x16x16xf32, #tpu.memory_space<hbm>>
      %dma_start3A_373 = tpu.memref_squeeze %dma_start3A_372 : memref<1x16x16xf32, #tpu.memory_space<hbm>> -> memref<16x16xf32, #tpu.memory_space<hbm>>
      tpu.enqueue_dma source(%dma_start3A_373 : memref<16x16xf32, #tpu.memory_space<hbm>>) target(%arg5 : memref<16x16xf32, #tpu.memory_space<vmem>>) target_semaphore(%run_scoped3A : memref<!tpu.dma_semaphore, #tpu.memory_space<semaphore_mem>>)
      %dma_wait3A = arith.constant 0 : i32
      %dma_wait3A_374 = arith.constant 0 : i32
      %dma_wait3A_375 = tpu.memref_slice %arg2[%add3A, %dma_wait3A, %dma_wait3A_374] : memref<48x16x16xf32, #tpu.memory_space<hbm>> -> memref<1x16x16xf32, #tpu.memory_space<hbm>>
      %dma_wait3A_376 = tpu.memref_squeeze %dma_wait3A_375 : memref<1x16x16xf32, #tpu.memory_space<hbm>> -> memref<16x16xf32, #tpu.memory_space<hbm>>
      %dma_wait3A_377 = arith.constant 0 : i32
      %dma_wait3A_378 = arith.constant 0 : i32
      %dma_wait3A_379 = tpu.memref_slice %arg2[%add3A, %dma_wait3A_377, %dma_wait3A_378] : memref<48x16x16xf32, #tpu.memory_space<hbm>> -> memref<1x16x16xf32, #tpu.memory_space<hbm>>
      %dma_wait3A_380 = tpu.memref_squeeze %dma_wait3A_379 : memref<1x16x16xf32, #tpu.memory_space<hbm>> -> memref<16x16xf32, #tpu.memory_space<hbm>>
      tpu.wait_dma2 semaphore(%run_scoped3A : memref<!tpu.dma_semaphore, #tpu.memory_space<semaphore_mem>>) src(%dma_wait3A_380 : memref<16x16xf32, #tpu.memory_space<hbm>>) dst(%arg5 : memref<16x16xf32, #tpu.memory_space<vmem>>)
      tpu.yield
    }) : () -> ()
    "tpu.region"() ({
      %run_scoped3A = tpu.sem_alloc : memref<!tpu.dma_semaphore, #tpu.memory_space<semaphore_mem>>
      %dma_start3A = arith.constant 0 : i32
      %dma_start3A_367 = arith.constant 0 : i32
      %dma_start3A_368 = tpu.memref_slice %arg3[%add3A, %dma_start3A, %dma_start3A_367] : memref<48x16x16xf32, #tpu.memory_space<hbm>> -> memref<1x16x16xf32, #tpu.memory_space<hbm>>
      %dma_start3A_369 = tpu.memref_squeeze %dma_start3A_368 : memref<1x16x16xf32, #tpu.memory_space<hbm>> -> memref<16x16xf32, #tpu.memory_space<hbm>>
      %dma_start3A_370 = arith.constant 0 : i32
      %dma_start3A_371 = arith.constant 0 : i32
      %dma_start3A_372 = tpu.memref_slice %arg3[%add3A, %dma_start3A_370, %dma_start3A_371] : memref<48x16x16xf32, #tpu.memory_space<hbm>> -> memref<1x16x16xf32, #tpu.memory_space<hbm>>
      %dma_start3A_373 = tpu.memref_squeeze %dma_start3A_372 : memref<1x16x16xf32, #tpu.memory_space<hbm>> -> memref<16x16xf32, #tpu.memory_space<hbm>>
      tpu.enqueue_dma source(%dma_start3A_373 : memref<16x16xf32, #tpu.memory_space<hbm>>) target(%arg6 : memref<16x16xf32, #tpu.memory_space<vmem>>) target_semaphore(%run_scoped3A : memref<!tpu.dma_semaphore, #tpu.memory_space<semaphore_mem>>)
      %dma_wait3A = arith.constant 0 : i32
      %dma_wait3A_374 = arith.constant 0 : i32
      %dma_wait3A_375 = tpu.memref_slice %arg3[%add3A, %dma_wait3A, %dma_wait3A_374] : memref<48x16x16xf32, #tpu.memory_space<hbm>> -> memref<1x16x16xf32, #tpu.memory_space<hbm>>
      %dma_wait3A_376 = tpu.memref_squeeze %dma_wait3A_375 : memref<1x16x16xf32, #tpu.memory_space<hbm>> -> memref<16x16xf32, #tpu.memory_space<hbm>>
      %dma_wait3A_377 = arith.constant 0 : i32
      %dma_wait3A_378 = arith.constant 0 : i32
      %dma_wait3A_379 = tpu.memref_slice %arg3[%add3A, %dma_wait3A_377, %dma_wait3A_378] : memref<48x16x16xf32, #tpu.memory_space<hbm>> -> memref<1x16x16xf32, #tpu.memory_space<hbm>>
      %dma_wait3A_380 = tpu.memref_squeeze %dma_wait3A_379 : memref<1x16x16xf32, #tpu.memory_space<hbm>> -> memref<16x16xf32, #tpu.memory_space<hbm>>
      tpu.wait_dma2 semaphore(%run_scoped3A : memref<!tpu.dma_semaphore, #tpu.memory_space<semaphore_mem>>) src(%dma_wait3A_380 : memref<16x16xf32, #tpu.memory_space<hbm>>) dst(%arg6 : memref<16x16xf32, #tpu.memory_space<vmem>>)
      tpu.yield
    }) : () -> ()
    %get3A = arith.constant 0 : i32
    %get3A_2 = arith.index_cast %get3A : i32 to index
    %get3A_3 = arith.constant 0 : index
    %get3A_4 = tpu.vector_load %arg5[%get3A_2, %get3A_3] {strides = array<i32>} : memref<16x16xf32, #tpu.memory_space<vmem>>, vector<1x16xf32>,
    %get3A_5 = vector.shape_cast %get3A_4 : vector<1x16xf32> to vector<16xf32>
    %get3A_6 = arith.constant 0 : i32
    %get3A_7 = arith.index_cast %get3A_6 : i32 to index
    %get3A_8 = arith.constant 0 : index
    %get3A_9 = tpu.vector_load %arg6[%get3A_7, %get3A_8] {strides = array<i32>} : memref<16x16xf32, #tpu.memory_space<vmem>>, vector<1x16xf32>,
    %get3A_10 = vector.shape_cast %get3A_9 : vector<1x16xf32> to vector<16xf32>
    %add3A_11 = arith.addf %get3A_5, %get3A_10 : vector<16xf32>
    %get3A_12 = arith.constant 1 : i32
    %get3A_13 = arith.index_cast %get3A_12 : i32 to index
    %get3A_14 = arith.constant 0 : index
    %get3A_15 = tpu.vector_load %arg5[%get3A_13, %get3A_14] {strides = array<i32>} : memref<16x16xf32, #tpu.memory_space<vmem>>, vector<1x16xf32>,
    %get3A_16 = vector.shape_cast %get3A_15 : vector<1x16xf32> to vector<16xf32>
    %get3A_17 = arith.constant 1 : i32
    %get3A_18 = arith.index_cast %get3A_17 : i32 to index
    %get3A_19 = arith.constant 0 : index
    %get3A_20 = tpu.vector_load %arg6[%get3A_18, %get3A_19] {strides = array<i32>} : memref<16x16xf32, #tpu.memory_space<vmem>>, vector<1x16xf32>,
    %get3A_21 = vector.shape_cast %get3A_20 : vector<1x16xf32> to vector<16xf32>
    %add3A_22 = arith.addf %get3A_16, %get3A_21 : vector<16xf32>
    %get3A_23 = arith.constant 2 : i32
    %get3A_24 = arith.index_cast %get3A_23 : i32 to index
    %get3A_25 = arith.constant 0 : index
    %get3A_26 = tpu.vector_load %arg5[%get3A_24, %get3A_25] {strides = array<i32>} : memref<16x16xf32, #tpu.memory_space<vmem>>, vector<1x16xf32>,
    %get3A_27 = vector.shape_cast %get3A_26 : vector<1x16xf32> to vector<16xf32>
    %get3A_28 = arith.constant 2 : i32
    %get3A_29 = arith.index_cast %get3A_28 : i32 to index
    %get3A_30 = arith.constant 0 : index
    %get3A_31 = tpu.vector_load %arg6[%get3A_29, %get3A_30] {strides = array<i32>} : memref<16x16xf32, #tpu.memory_space<vmem>>, vector<1x16xf32>,
    %get3A_32 = vector.shape_cast %get3A_31 : vector<1x16xf32> to vector<16xf32>
    %add3A_33 = arith.addf %get3A_27, %get3A_32 : vector<16xf32>
    %get3A_34 = arith.constant 3 : i32
    %get3A_35 = arith.index_cast %get3A_34 : i32 to index
    %get3A_36 = arith.constant 0 : index
    %get3A_37 = tpu.vector_load %arg5[%get3A_35, %get3A_36] {strides = array<i32>} : memref<16x16xf32, #tpu.memory_space<vmem>>, vector<1x16xf32>,
    %get3A_38 = vector.shape_cast %get3A_37 : vector<1x16xf32> to vector<16xf32>
    %get3A_39 = arith.constant 3 : i32
    %get3A_40 = arith.index_cast %get3A_39 : i32 to index
    %get3A_41 = arith.constant 0 : index
    %get3A_42 = tpu.vector_load %arg6[%get3A_40, %get3A_41] {strides = array<i32>} : memref<16x16xf32, #tpu.memory_space<vmem>>, vector<1x16xf32>,
    %get3A_43 = vector.shape_cast %get3A_42 : vector<1x16xf32> to vector<16xf32>
    %add3A_44 = arith.addf %get3A_38, %get3A_43 : vector<16xf32>
    %get3A_45 = arith.constant 4 : i32
    %get3A_46 = arith.index_cast %get3A_45 : i32 to index
    %get3A_47 = arith.constant 0 : index
    %get3A_48 = tpu.vector_load %arg5[%get3A_46, %get3A_47] {strides = array<i32>} : memref<16x16xf32, #tpu.memory_space<vmem>>, vector<1x16xf32>,
    %get3A_49 = vector.shape_cast %get3A_48 : vector<1x16xf32> to vector<16xf32>
    %get3A_50 = arith.constant 4 : i32
    %get3A_51 = arith.index_cast %get3A_50 : i32 to index
    %get3A_52 = arith.constant 0 : index
    %get3A_53 = tpu.vector_load %arg6[%get3A_51, %get3A_52] {strides = array<i32>} : memref<16x16xf32, #tpu.memory_space<vmem>>, vector<1x16xf32>,
    %get3A_54 = vector.shape_cast %get3A_53 : vector<1x16xf32> to vector<16xf32>
    %add3A_55 = arith.addf %get3A_49, %get3A_54 : vector<16xf32>
    %get3A_56 = arith.constant 5 : i32
    %get3A_57 = arith.index_cast %get3A_56 : i32 to index
    %get3A_58 = arith.constant 0 : index
    %get3A_59 = tpu.vector_load %arg5[%get3A_57, %get3A_58] {strides = array<i32>} : memref<16x16xf32, #tpu.memory_space<vmem>>, vector<1x16xf32>,
    %get3A_60 = vector.shape_cast %get3A_59 : vector<1x16xf32> to vector<16xf32>
    %get3A_61 = arith.constant 5 : i32
    %get3A_62 = arith.index_cast %get3A_61 : i32 to index
    %get3A_63 = arith.constant 0 : index
    %get3A_64 = tpu.vector_load %arg6[%get3A_62, %get3A_63] {strides = array<i32>} : memref<16x16xf32, #tpu.memory_space<vmem>>, vector<1x16xf32>,
    %get3A_65 = vector.shape_cast %get3A_64 : vector<1x16xf32> to vector<16xf32>
    %add3A_66 = arith.addf %get3A_60, %get3A_65 : vector<16xf32>
    %get3A_67 = arith.constant 6 : i32
    %get3A_68 = arith.index_cast %get3A_67 : i32 to index
    %get3A_69 = arith.constant 0 : index
    %get3A_70 = tpu.vector_load %arg5[%get3A_68, %get3A_69] {strides = array<i32>} : memref<16x16xf32, #tpu.memory_space<vmem>>, vector<1x16xf32>,
    %get3A_71 = vector.shape_cast %get3A_70 : vector<1x16xf32> to vector<16xf32>
    %get3A_72 = arith.constant 6 : i32
    %get3A_73 = arith.index_cast %get3A_72 : i32 to index
    %get3A_74 = arith.constant 0 : index
    %get3A_75 = tpu.vector_load %arg6[%get3A_73, %get3A_74] {strides = array<i32>} : memref<16x16xf32, #tpu.memory_space<vmem>>, vector<1x16xf32>,
    %get3A_76 = vector.shape_cast %get3A_75 : vector<1x16xf32> to vector<16xf32>
    %add3A_77 = arith.addf %get3A_71, %get3A_76 : vector<16xf32>
    %get3A_78 = arith.constant 7 : i32
    %get3A_79 = arith.index_cast %get3A_78 : i32 to index
    %get3A_80 = arith.constant 0 : index
    %get3A_81 = tpu.vector_load %arg5[%get3A_79, %get3A_80] {strides = array<i32>} : memref<16x16xf32, #tpu.memory_space<vmem>>, vector<1x16xf32>,
    %get3A_82 = vector.shape_cast %get3A_81 : vector<1x16xf32> to vector<16xf32>
    %get3A_83 = arith.constant 7 : i32
    %get3A_84 = arith.index_cast %get3A_83 : i32 to index
    %get3A_85 = arith.constant 0 : index
    %get3A_86 = tpu.vector_load %arg6[%get3A_84, %get3A_85] {strides = array<i32>} : memref<16x16xf32, #tpu.memory_space<vmem>>, vector<1x16xf32>,
    %get3A_87 = vector.shape_cast %get3A_86 : vector<1x16xf32> to vector<16xf32>
    %add3A_88 = arith.addf %get3A_82, %get3A_87 : vector<16xf32>
    %get3A_89 = arith.constant 8 : i32
    %get3A_90 = arith.index_cast %get3A_89 : i32 to index
    %get3A_91 = arith.constant 0 : index
    %get3A_92 = tpu.vector_load %arg5[%get3A_90, %get3A_91] {strides = array<i32>} : memref<16x16xf32, #tpu.memory_space<vmem>>, vector<1x16xf32>,
    %get3A_93 = vector.shape_cast %get3A_92 : vector<1x16xf32> to vector<16xf32>
    %get3A_94 = arith.constant 8 : i32
    %get3A_95 = arith.index_cast %get3A_94 : i32 to index
    %get3A_96 = arith.constant 0 : index
    %get3A_97 = tpu.vector_load %arg6[%get3A_95, %get3A_96] {strides = array<i32>} : memref<16x16xf32, #tpu.memory_space<vmem>>, vector<1x16xf32>,
    %get3A_98 = vector.shape_cast %get3A_97 : vector<1x16xf32> to vector<16xf32>
    %add3A_99 = arith.addf %get3A_93, %get3A_98 : vector<16xf32>
    %get3A_100 = arith.constant 9 : i32
    %get3A_101 = arith.index_cast %get3A_100 : i32 to index
    %get3A_102 = arith.constant 0 : index
    %get3A_103 = tpu.vector_load %arg5[%get3A_101, %get3A_102] {strides = array<i32>} : memref<16x16xf32, #tpu.memory_space<vmem>>, vector<1x16xf32>,
    %get3A_104 = vector.shape_cast %get3A_103 : vector<1x16xf32> to vector<16xf32>
    %get3A_105 = arith.constant 9 : i32
    %get3A_106 = arith.index_cast %get3A_105 : i32 to index
    %get3A_107 = arith.constant 0 : index
    %get3A_108 = tpu.vector_load %arg6[%get3A_106, %get3A_107] {strides = array<i32>} : memref<16x16xf32, #tpu.memory_space<vmem>>, vector<1x16xf32>,
    %get3A_109 = vector.shape_cast %get3A_108 : vector<1x16xf32> to vector<16xf32>
    %add3A_110 = arith.addf %get3A_104, %get3A_109 : vector<16xf32>
    %get3A_111 = arith.constant 10 : i32
    %get3A_112 = arith.index_cast %get3A_111 : i32 to index
    %get3A_113 = arith.constant 0 : index
    %get3A_114 = tpu.vector_load %arg5[%get3A_112, %get3A_113] {strides = array<i32>} : memref<16x16xf32, #tpu.memory_space<vmem>>, vector<1x16xf32>,
    %get3A_115 = vector.shape_cast %get3A_114 : vector<1x16xf32> to vector<16xf32>
    %get3A_116 = arith.constant 10 : i32
    %get3A_117 = arith.index_cast %get3A_116 : i32 to index
    %get3A_118 = arith.constant 0 : index
    %get3A_119 = tpu.vector_load %arg6[%get3A_117, %get3A_118] {strides = array<i32>} : memref<16x16xf32, #tpu.memory_space<vmem>>, vector<1x16xf32>,
    %get3A_120 = vector.shape_cast %get3A_119 : vector<1x16xf32> to vector<16xf32>
    %add3A_121 = arith.addf %get3A_115, %get3A_120 : vector<16xf32>
    %get3A_122 = arith.constant 11 : i32
    %get3A_123 = arith.index_cast %get3A_122 : i32 to index
    %get3A_124 = arith.constant 0 : index
    %get3A_125 = tpu.vector_load %arg5[%get3A_123, %get3A_124] {strides = array<i32>} : memref<16x16xf32, #tpu.memory_space<vmem>>, vector<1x16xf32>,
    %get3A_126 = vector.shape_cast %get3A_125 : vector<1x16xf32> to vector<16xf32>
    %get3A_127 = arith.constant 11 : i32
    %get3A_128 = arith.index_cast %get3A_127 : i32 to index
    %get3A_129 = arith.constant 0 : index
    %get3A_130 = tpu.vector_load %arg6[%get3A_128, %get3A_129] {strides = array<i32>} : memref<16x16xf32, #tpu.memory_space<vmem>>, vector<1x16xf32>,
    %get3A_131 = vector.shape_cast %get3A_130 : vector<1x16xf32> to vector<16xf32>
    %add3A_132 = arith.addf %get3A_126, %get3A_131 : vector<16xf32>
    %get3A_133 = arith.constant 12 : i32
    %get3A_134 = arith.index_cast %get3A_133 : i32 to index
    %get3A_135 = arith.constant 0 : index
    %get3A_136 = tpu.vector_load %arg5[%get3A_134, %get3A_135] {strides = array<i32>} : memref<16x16xf32, #tpu.memory_space<vmem>>, vector<1x16xf32>,
    %get3A_137 = vector.shape_cast %get3A_136 : vector<1x16xf32> to vector<16xf32>
    %get3A_138 = arith.constant 12 : i32
    %get3A_139 = arith.index_cast %get3A_138 : i32 to index
    %get3A_140 = arith.constant 0 : index
    %get3A_141 = tpu.vector_load %arg6[%get3A_139, %get3A_140] {strides = array<i32>} : memref<16x16xf32, #tpu.memory_space<vmem>>, vector<1x16xf32>,
    %get3A_142 = vector.shape_cast %get3A_141 : vector<1x16xf32> to vector<16xf32>
    %add3A_143 = arith.addf %get3A_137, %get3A_142 : vector<16xf32>
    %get3A_144 = arith.constant 13 : i32
    %get3A_145 = arith.index_cast %get3A_144 : i32 to index
    %get3A_146 = arith.constant 0 : index
    %get3A_147 = tpu.vector_load %arg5[%get3A_145, %get3A_146] {strides = array<i32>} : memref<16x16xf32, #tpu.memory_space<vmem>>, vector<1x16xf32>,
    %get3A_148 = vector.shape_cast %get3A_147 : vector<1x16xf32> to vector<16xf32>
    %get3A_149 = arith.constant 13 : i32
    %get3A_150 = arith.index_cast %get3A_149 : i32 to index
    %get3A_151 = arith.constant 0 : index
    %get3A_152 = tpu.vector_load %arg6[%get3A_150, %get3A_151] {strides = array<i32>} : memref<16x16xf32, #tpu.memory_space<vmem>>, vector<1x16xf32>,
    %get3A_153 = vector.shape_cast %get3A_152 : vector<1x16xf32> to vector<16xf32>
    %add3A_154 = arith.addf %get3A_148, %get3A_153 : vector<16xf32>
    %get3A_155 = arith.constant 14 : i32
    %get3A_156 = arith.index_cast %get3A_155 : i32 to index
    %get3A_157 = arith.constant 0 : index
    %get3A_158 = tpu.vector_load %arg5[%get3A_156, %get3A_157] {strides = array<i32>} : memref<16x16xf32, #tpu.memory_space<vmem>>, vector<1x16xf32>,
    %get3A_159 = vector.shape_cast %get3A_158 : vector<1x16xf32> to vector<16xf32>
    %get3A_160 = arith.constant 14 : i32
    %get3A_161 = arith.index_cast %get3A_160 : i32 to index
    %get3A_162 = arith.constant 0 : index
    %get3A_163 = tpu.vector_load %arg6[%get3A_161, %get3A_162] {strides = array<i32>} : memref<16x16xf32, #tpu.memory_space<vmem>>, vector<1x16xf32>,
    %get3A_164 = vector.shape_cast %get3A_163 : vector<1x16xf32> to vector<16xf32>
    %add3A_165 = arith.addf %get3A_159, %get3A_164 : vector<16xf32>
    %get3A_166 = arith.constant 15 : i32
    %get3A_167 = arith.index_cast %get3A_166 : i32 to index
    %get3A_168 = arith.constant 0 : index
    %get3A_169 = tpu.vector_load %arg5[%get3A_167, %get3A_168] {strides = array<i32>} : memref<16x16xf32, #tpu.memory_space<vmem>>, vector<1x16xf32>,
    %get3A_170 = vector.shape_cast %get3A_169 : vector<1x16xf32> to vector<16xf32>
    %get3A_171 = arith.constant 15 : i32
    %get3A_172 = arith.index_cast %get3A_171 : i32 to index
    %get3A_173 = arith.constant 0 : index
    %get3A_174 = tpu.vector_load %arg6[%get3A_172, %get3A_173] {strides = array<i32>} : memref<16x16xf32, #tpu.memory_space<vmem>>, vector<1x16xf32>,
    %get3A_175 = vector.shape_cast %get3A_174 : vector<1x16xf32> to vector<16xf32>
    %add3A_176 = arith.addf %get3A_170, %get3A_175 : vector<16xf32>
    %max3A = arith.maximumf %add3A_11, %add3A_22 : vector<16xf32>
    %max3A_177 = arith.maximumf %max3A, %add3A_33 : vector<16xf32>
    %max3A_178 = arith.maximumf %max3A_177, %add3A_44 : vector<16xf32>
    %max3A_179 = arith.maximumf %max3A_178, %add3A_55 : vector<16xf32>
    %max3A_180 = arith.maximumf %max3A_179, %add3A_66 : vector<16xf32>
    %max3A_181 = arith.maximumf %max3A_180, %add3A_77 : vector<16xf32>
    %max3A_182 = arith.maximumf %max3A_181, %add3A_88 : vector<16xf32>
    %max3A_183 = arith.maximumf %max3A_182, %add3A_99 : vector<16xf32>
    %max3A_184 = arith.maximumf %max3A_183, %add3A_110 : vector<16xf32>
    %max3A_185 = arith.maximumf %max3A_184, %add3A_121 : vector<16xf32>
    %max3A_186 = arith.maximumf %max3A_185, %add3A_132 : vector<16xf32>
    %max3A_187 = arith.maximumf %max3A_186, %add3A_143 : vector<16xf32>
    %max3A_188 = arith.maximumf %max3A_187, %add3A_154 : vector<16xf32>
    %max3A_189 = arith.maximumf %max3A_188, %add3A_165 : vector<16xf32>
    %max3A_190 = arith.maximumf %max3A_189, %add3A_176 : vector<16xf32>
    %ge3A = arith.cmpf oge, %add3A_11, %max3A_190 : vector<16xf32>
    %get3A_191 = arith.constant 0 : i32
    %get3A_192 = arith.index_cast %get3A_191 : i32 to index
    %get3A_193 = arith.constant 0 : index
    %get3A_194 = tpu.vector_load %arg5[%get3A_192, %get3A_193] {strides = array<i32>} : memref<16x16xf32, #tpu.memory_space<vmem>>, vector<1x16xf32>,
    %get3A_195 = vector.shape_cast %get3A_194 : vector<1x16xf32> to vector<16xf32>
    %select_n3A = arith.select %ge3A, %get3A_195, %broadcast_in_dim3A_1 : vector<16xi1>, vector<16xf32>
    %add3A_196 = arith.addf %broadcast_in_dim3A_1, %select_n3A : vector<16xf32>
    %ge3A_197 = arith.cmpf oge, %add3A_22, %max3A_190 : vector<16xf32>
    %get3A_198 = arith.constant 1 : i32
    %get3A_199 = arith.index_cast %get3A_198 : i32 to index
    %get3A_200 = arith.constant 0 : index
    %get3A_201 = tpu.vector_load %arg5[%get3A_199, %get3A_200] {strides = array<i32>} : memref<16x16xf32, #tpu.memory_space<vmem>>, vector<1x16xf32>,
    %get3A_202 = vector.shape_cast %get3A_201 : vector<1x16xf32> to vector<16xf32>
    %select_n3A_203 = arith.select %ge3A_197, %get3A_202, %broadcast_in_dim3A_1 : vector<16xi1>, vector<16xf32>
    %add3A_204 = arith.addf %add3A_196, %select_n3A_203 : vector<16xf32>
    %ge3A_205 = arith.cmpf oge, %add3A_33, %max3A_190 : vector<16xf32>
    %get3A_206 = arith.constant 2 : i32
    %get3A_207 = arith.index_cast %get3A_206 : i32 to index
    %get3A_208 = arith.constant 0 : index
    %get3A_209 = tpu.vector_load %arg5[%get3A_207, %get3A_208] {strides = array<i32>} : memref<16x16xf32, #tpu.memory_space<vmem>>, vector<1x16xf32>,
    %get3A_210 = vector.shape_cast %get3A_209 : vector<1x16xf32> to vector<16xf32>
    %select_n3A_211 = arith.select %ge3A_205, %get3A_210, %broadcast_in_dim3A_1 : vector<16xi1>, vector<16xf32>
    %add3A_212 = arith.addf %add3A_204, %select_n3A_211 : vector<16xf32>
    %ge3A_213 = arith.cmpf oge, %add3A_44, %max3A_190 : vector<16xf32>
    %get3A_214 = arith.constant 3 : i32
    %get3A_215 = arith.index_cast %get3A_214 : i32 to index
    %get3A_216 = arith.constant 0 : index
    %get3A_217 = tpu.vector_load %arg5[%get3A_215, %get3A_216] {strides = array<i32>} : memref<16x16xf32, #tpu.memory_space<vmem>>, vector<1x16xf32>,
    %get3A_218 = vector.shape_cast %get3A_217 : vector<1x16xf32> to vector<16xf32>
    %select_n3A_219 = arith.select %ge3A_213, %get3A_218, %broadcast_in_dim3A_1 : vector<16xi1>, vector<16xf32>
    %add3A_220 = arith.addf %add3A_212, %select_n3A_219 : vector<16xf32>
    %ge3A_221 = arith.cmpf oge, %add3A_55, %max3A_190 : vector<16xf32>
    %get3A_222 = arith.constant 4 : i32
    %get3A_223 = arith.index_cast %get3A_222 : i32 to index
    %get3A_224 = arith.constant 0 : index
    %get3A_225 = tpu.vector_load %arg5[%get3A_223, %get3A_224] {strides = array<i32>} : memref<16x16xf32, #tpu.memory_space<vmem>>, vector<1x16xf32>,
    %get3A_226 = vector.shape_cast %get3A_225 : vector<1x16xf32> to vector<16xf32>
    %select_n3A_227 = arith.select %ge3A_221, %get3A_226, %broadcast_in_dim3A_1 : vector<16xi1>, vector<16xf32>
    %add3A_228 = arith.addf %add3A_220, %select_n3A_227 : vector<16xf32>
    %ge3A_229 = arith.cmpf oge, %add3A_66, %max3A_190 : vector<16xf32>
    %get3A_230 = arith.constant 5 : i32
    %get3A_231 = arith.index_cast %get3A_230 : i32 to index
    %get3A_232 = arith.constant 0 : index
    %get3A_233 = tpu.vector_load %arg5[%get3A_231, %get3A_232] {strides = array<i32>} : memref<16x16xf32, #tpu.memory_space<vmem>>, vector<1x16xf32>,
    %get3A_234 = vector.shape_cast %get3A_233 : vector<1x16xf32> to vector<16xf32>
    %select_n3A_235 = arith.select %ge3A_229, %get3A_234, %broadcast_in_dim3A_1 : vector<16xi1>, vector<16xf32>
    %add3A_236 = arith.addf %add3A_228, %select_n3A_235 : vector<16xf32>
    %ge3A_237 = arith.cmpf oge, %add3A_77, %max3A_190 : vector<16xf32>
    %get3A_238 = arith.constant 6 : i32
    %get3A_239 = arith.index_cast %get3A_238 : i32 to index
    %get3A_240 = arith.constant 0 : index
    %get3A_241 = tpu.vector_load %arg5[%get3A_239, %get3A_240] {strides = array<i32>} : memref<16x16xf32, #tpu.memory_space<vmem>>, vector<1x16xf32>,
    %get3A_242 = vector.shape_cast %get3A_241 : vector<1x16xf32> to vector<16xf32>
    %select_n3A_243 = arith.select %ge3A_237, %get3A_242, %broadcast_in_dim3A_1 : vector<16xi1>, vector<16xf32>
    %add3A_244 = arith.addf %add3A_236, %select_n3A_243 : vector<16xf32>
    %ge3A_245 = arith.cmpf oge, %add3A_88, %max3A_190 : vector<16xf32>
    %get3A_246 = arith.constant 7 : i32
    %get3A_247 = arith.index_cast %get3A_246 : i32 to index
    %get3A_248 = arith.constant 0 : index
    %get3A_249 = tpu.vector_load %arg5[%get3A_247, %get3A_248] {strides = array<i32>} : memref<16x16xf32, #tpu.memory_space<vmem>>, vector<1x16xf32>,
    %get3A_250 = vector.shape_cast %get3A_249 : vector<1x16xf32> to vector<16xf32>
    %select_n3A_251 = arith.select %ge3A_245, %get3A_250, %broadcast_in_dim3A_1 : vector<16xi1>, vector<16xf32>
    %add3A_252 = arith.addf %add3A_244, %select_n3A_251 : vector<16xf32>
    %ge3A_253 = arith.cmpf oge, %add3A_99, %max3A_190 : vector<16xf32>
    %get3A_254 = arith.constant 8 : i32
    %get3A_255 = arith.index_cast %get3A_254 : i32 to index
    %get3A_256 = arith.constant 0 : index
    %get3A_257 = tpu.vector_load %arg5[%get3A_255, %get3A_256] {strides = array<i32>} : memref<16x16xf32, #tpu.memory_space<vmem>>, vector<1x16xf32>,
    %get3A_258 = vector.shape_cast %get3A_257 : vector<1x16xf32> to vector<16xf32>
    %select_n3A_259 = arith.select %ge3A_253, %get3A_258, %broadcast_in_dim3A_1 : vector<16xi1>, vector<16xf32>
    %add3A_260 = arith.addf %add3A_252, %select_n3A_259 : vector<16xf32>
    %ge3A_261 = arith.cmpf oge, %add3A_110, %max3A_190 : vector<16xf32>
    %get3A_262 = arith.constant 9 : i32
    %get3A_263 = arith.index_cast %get3A_262 : i32 to index
    %get3A_264 = arith.constant 0 : index
    %get3A_265 = tpu.vector_load %arg5[%get3A_263, %get3A_264] {strides = array<i32>} : memref<16x16xf32, #tpu.memory_space<vmem>>, vector<1x16xf32>,
    %get3A_266 = vector.shape_cast %get3A_265 : vector<1x16xf32> to vector<16xf32>
    %select_n3A_267 = arith.select %ge3A_261, %get3A_266, %broadcast_in_dim3A_1 : vector<16xi1>, vector<16xf32>
    %add3A_268 = arith.addf %add3A_260, %select_n3A_267 : vector<16xf32>
    %ge3A_269 = arith.cmpf oge, %add3A_121, %max3A_190 : vector<16xf32>
    %get3A_270 = arith.constant 10 : i32
    %get3A_271 = arith.index_cast %get3A_270 : i32 to index
    %get3A_272 = arith.constant 0 : index
    %get3A_273 = tpu.vector_load %arg5[%get3A_271, %get3A_272] {strides = array<i32>} : memref<16x16xf32, #tpu.memory_space<vmem>>, vector<1x16xf32>,
    %get3A_274 = vector.shape_cast %get3A_273 : vector<1x16xf32> to vector<16xf32>
    %select_n3A_275 = arith.select %ge3A_269, %get3A_274, %broadcast_in_dim3A_1 : vector<16xi1>, vector<16xf32>
    %add3A_276 = arith.addf %add3A_268, %select_n3A_275 : vector<16xf32>
    %ge3A_277 = arith.cmpf oge, %add3A_132, %max3A_190 : vector<16xf32>
    %get3A_278 = arith.constant 11 : i32
    %get3A_279 = arith.index_cast %get3A_278 : i32 to index
    %get3A_280 = arith.constant 0 : index
    %get3A_281 = tpu.vector_load %arg5[%get3A_279, %get3A_280] {strides = array<i32>} : memref<16x16xf32, #tpu.memory_space<vmem>>, vector<1x16xf32>,
    %get3A_282 = vector.shape_cast %get3A_281 : vector<1x16xf32> to vector<16xf32>
    %select_n3A_283 = arith.select %ge3A_277, %get3A_282, %broadcast_in_dim3A_1 : vector<16xi1>, vector<16xf32>
    %add3A_284 = arith.addf %add3A_276, %select_n3A_283 : vector<16xf32>
    %ge3A_285 = arith.cmpf oge, %add3A_143, %max3A_190 : vector<16xf32>
    %get3A_286 = arith.constant 12 : i32
    %get3A_287 = arith.index_cast %get3A_286 : i32 to index
    %get3A_288 = arith.constant 0 : index
    %get3A_289 = tpu.vector_load %arg5[%get3A_287, %get3A_288] {strides = array<i32>} : memref<16x16xf32, #tpu.memory_space<vmem>>, vector<1x16xf32>,
    %get3A_290 = vector.shape_cast %get3A_289 : vector<1x16xf32> to vector<16xf32>
    %select_n3A_291 = arith.select %ge3A_285, %get3A_290, %broadcast_in_dim3A_1 : vector<16xi1>, vector<16xf32>
    %add3A_292 = arith.addf %add3A_284, %select_n3A_291 : vector<16xf32>
    %ge3A_293 = arith.cmpf oge, %add3A_154, %max3A_190 : vector<16xf32>
    %get3A_294 = arith.constant 13 : i32
    %get3A_295 = arith.index_cast %get3A_294 : i32 to index
    %get3A_296 = arith.constant 0 : index
    %get3A_297 = tpu.vector_load %arg5[%get3A_295, %get3A_296] {strides = array<i32>} : memref<16x16xf32, #tpu.memory_space<vmem>>, vector<1x16xf32>,
    %get3A_298 = vector.shape_cast %get3A_297 : vector<1x16xf32> to vector<16xf32>
    %select_n3A_299 = arith.select %ge3A_293, %get3A_298, %broadcast_in_dim3A_1 : vector<16xi1>, vector<16xf32>
    %add3A_300 = arith.addf %add3A_292, %select_n3A_299 : vector<16xf32>
    %ge3A_301 = arith.cmpf oge, %add3A_165, %max3A_190 : vector<16xf32>
    %get3A_302 = arith.constant 14 : i32
    %get3A_303 = arith.index_cast %get3A_302 : i32 to index
    %get3A_304 = arith.constant 0 : index
    %get3A_305 = tpu.vector_load %arg5[%get3A_303, %get3A_304] {strides = array<i32>} : memref<16x16xf32, #tpu.memory_space<vmem>>, vector<1x16xf32>,
    %get3A_306 = vector.shape_cast %get3A_305 : vector<1x16xf32> to vector<16xf32>
    %select_n3A_307 = arith.select %ge3A_301, %get3A_306, %broadcast_in_dim3A_1 : vector<16xi1>, vector<16xf32>
    %add3A_308 = arith.addf %add3A_300, %select_n3A_307 : vector<16xf32>
    %ge3A_309 = arith.cmpf oge, %add3A_176, %max3A_190 : vector<16xf32>
    %get3A_310 = arith.constant 15 : i32
    %get3A_311 = arith.index_cast %get3A_310 : i32 to index
    %get3A_312 = arith.constant 0 : index
    %get3A_313 = tpu.vector_load %arg5[%get3A_311, %get3A_312] {strides = array<i32>} : memref<16x16xf32, #tpu.memory_space<vmem>>, vector<1x16xf32>,
    %get3A_314 = vector.shape_cast %get3A_313 : vector<1x16xf32> to vector<16xf32>
    %select_n3A_315 = arith.select %ge3A_309, %get3A_314, %broadcast_in_dim3A_1 : vector<16xi1>, vector<16xf32>
    %add3A_316 = arith.addf %add3A_308, %select_n3A_315 : vector<16xf32>
    %swap3A = arith.constant 0 : i32
    %swap3A_317 = arith.index_cast %swap3A : i32 to index
    %swap3A_318 = arith.constant 0 : index
    %swap3A_319 = tpu.vector_load %arg7[%swap3A_317, %swap3A_318] {strides = array<i32>} : memref<8x16xf32, #tpu.memory_space<vmem>>, vector<1x16xf32>,
    %swap3A_320 = vector.shape_cast %swap3A_319 : vector<1x16xf32> to vector<16xf32>
    %swap3A_321 = vector.shape_cast %add3A_316 : vector<16xf32> to vector<1x16xf32>
    tpu.vector_store %arg7[%swap3A_317, %swap3A_318], %swap3A_321 {strides = array<i32>} : memref<8x16xf32, #tpu.memory_space<vmem>>, vector<1x16xf32>,
    %lt3A = arith.constant 16 : i32
    %lt3A_322 = arith.cmpi slt, %add3A, %lt3A : i32
    %convert_element_type3A = arith.extui %lt3A_322 : i1 to i32
    %cond3A = arith.constant 0 : i32
    %cond3A_323 = arith.cmpi ne, %convert_element_type3A, %cond3A : i32
    scf.if %cond3A_323 {
      %add3A_367 = arith.constant 32 : i32
      %add3A_368 = arith.addi %add3A, %add3A_367 : i32
      "tpu.region"() ({
        %run_scoped3A = tpu.sem_alloc : memref<!tpu.dma_semaphore, #tpu.memory_space<semaphore_mem>>
        %dma_start3A = arith.constant 0 : i32
        %dma_start3A_694 = arith.constant 0 : i32
        %dma_start3A_695 = tpu.memref_slice %arg2[%add3A_368, %dma_start3A, %dma_start3A_694] : memref<48x16x16xf32, #tpu.memory_space<hbm>> -> memref<1x16x16xf32, #tpu.memory_space<hbm>>
        %dma_start3A_696 = tpu.memref_squeeze %dma_start3A_695 : memref<1x16x16xf32, #tpu.memory_space<hbm>> -> memref<16x16xf32, #tpu.memory_space<hbm>>
        %dma_start3A_697 = arith.constant 0 : i32
        %dma_start3A_698 = arith.constant 0 : i32
        %dma_start3A_699 = tpu.memref_slice %arg2[%add3A_368, %dma_start3A_697, %dma_start3A_698] : memref<48x16x16xf32, #tpu.memory_space<hbm>> -> memref<1x16x16xf32, #tpu.memory_space<hbm>>
        %dma_start3A_700 = tpu.memref_squeeze %dma_start3A_699 : memref<1x16x16xf32, #tpu.memory_space<hbm>> -> memref<16x16xf32, #tpu.memory_space<hbm>>
        tpu.enqueue_dma source(%dma_start3A_700 : memref<16x16xf32, #tpu.memory_space<hbm>>) target(%arg5 : memref<16x16xf32, #tpu.memory_space<vmem>>) target_semaphore(%run_scoped3A : memref<!tpu.dma_semaphore, #tpu.memory_space<semaphore_mem>>)
        %dma_wait3A = arith.constant 0 : i32
        %dma_wait3A_701 = arith.constant 0 : i32
        %dma_wait3A_702 = tpu.memref_slice %arg2[%add3A_368, %dma_wait3A, %dma_wait3A_701] : memref<48x16x16xf32, #tpu.memory_space<hbm>> -> memref<1x16x16xf32, #tpu.memory_space<hbm>>
        %dma_wait3A_703 = tpu.memref_squeeze %dma_wait3A_702 : memref<1x16x16xf32, #tpu.memory_space<hbm>> -> memref<16x16xf32, #tpu.memory_space<hbm>>
        %dma_wait3A_704 = arith.constant 0 : i32
        %dma_wait3A_705 = arith.constant 0 : i32
        %dma_wait3A_706 = tpu.memref_slice %arg2[%add3A_368, %dma_wait3A_704, %dma_wait3A_705] : memref<48x16x16xf32, #tpu.memory_space<hbm>> -> memref<1x16x16xf32, #tpu.memory_space<hbm>>
        %dma_wait3A_707 = tpu.memref_squeeze %dma_wait3A_706 : memref<1x16x16xf32, #tpu.memory_space<hbm>> -> memref<16x16xf32, #tpu.memory_space<hbm>>
        tpu.wait_dma2 semaphore(%run_scoped3A : memref<!tpu.dma_semaphore, #tpu.memory_space<semaphore_mem>>) src(%dma_wait3A_707 : memref<16x16xf32, #tpu.memory_space<hbm>>) dst(%arg5 : memref<16x16xf32, #tpu.memory_space<vmem>>)
        tpu.yield
      }) : () -> ()
      "tpu.region"() ({
        %run_scoped3A = tpu.sem_alloc : memref<!tpu.dma_semaphore, #tpu.memory_space<semaphore_mem>>
        %dma_start3A = arith.constant 0 : i32
        %dma_start3A_694 = arith.constant 0 : i32
        %dma_start3A_695 = tpu.memref_slice %arg3[%add3A_368, %dma_start3A, %dma_start3A_694] : memref<48x16x16xf32, #tpu.memory_space<hbm>> -> memref<1x16x16xf32, #tpu.memory_space<hbm>>
        %dma_start3A_696 = tpu.memref_squeeze %dma_start3A_695 : memref<1x16x16xf32, #tpu.memory_space<hbm>> -> memref<16x16xf32, #tpu.memory_space<hbm>>
        %dma_start3A_697 = arith.constant 0 : i32
        %dma_start3A_698 = arith.constant 0 : i32
        %dma_start3A_699 = tpu.memref_slice %arg3[%add3A_368, %dma_start3A_697, %dma_start3A_698] : memref<48x16x16xf32, #tpu.memory_space<hbm>> -> memref<1x16x16xf32, #tpu.memory_space<hbm>>
        %dma_start3A_700 = tpu.memref_squeeze %dma_start3A_699 : memref<1x16x16xf32, #tpu.memory_space<hbm>> -> memref<16x16xf32, #tpu.memory_space<hbm>>
        tpu.enqueue_dma source(%dma_start3A_700 : memref<16x16xf32, #tpu.memory_space<hbm>>) target(%arg6 : memref<16x16xf32, #tpu.memory_space<vmem>>) target_semaphore(%run_scoped3A : memref<!tpu.dma_semaphore, #tpu.memory_space<semaphore_mem>>)
        %dma_wait3A = arith.constant 0 : i32
        %dma_wait3A_701 = arith.constant 0 : i32
        %dma_wait3A_702 = tpu.memref_slice %arg3[%add3A_368, %dma_wait3A, %dma_wait3A_701] : memref<48x16x16xf32, #tpu.memory_space<hbm>> -> memref<1x16x16xf32, #tpu.memory_space<hbm>>
        %dma_wait3A_703 = tpu.memref_squeeze %dma_wait3A_702 : memref<1x16x16xf32, #tpu.memory_space<hbm>> -> memref<16x16xf32, #tpu.memory_space<hbm>>
        %dma_wait3A_704 = arith.constant 0 : i32
        %dma_wait3A_705 = arith.constant 0 : i32
        %dma_wait3A_706 = tpu.memref_slice %arg3[%add3A_368, %dma_wait3A_704, %dma_wait3A_705] : memref<48x16x16xf32, #tpu.memory_space<hbm>> -> memref<1x16x16xf32, #tpu.memory_space<hbm>>
        %dma_wait3A_707 = tpu.memref_squeeze %dma_wait3A_706 : memref<1x16x16xf32, #tpu.memory_space<hbm>> -> memref<16x16xf32, #tpu.memory_space<hbm>>
        tpu.wait_dma2 semaphore(%run_scoped3A : memref<!tpu.dma_semaphore, #tpu.memory_space<semaphore_mem>>) src(%dma_wait3A_707 : memref<16x16xf32, #tpu.memory_space<hbm>>) dst(%arg6 : memref<16x16xf32, #tpu.memory_space<vmem>>)
        tpu.yield
      }) : () -> ()
      %get3A_369 = arith.constant 0 : i32
      %get3A_370 = arith.index_cast %get3A_369 : i32 to index
      %get3A_371 = arith.constant 0 : index
      %get3A_372 = tpu.vector_load %arg5[%get3A_370, %get3A_371] {strides = array<i32>} : memref<16x16xf32, #tpu.memory_space<vmem>>, vector<1x16xf32>,
      %get3A_373 = vector.shape_cast %get3A_372 : vector<1x16xf32> to vector<16xf32>
      %get3A_374 = arith.constant 0 : i32
      %get3A_375 = arith.index_cast %get3A_374 : i32 to index
      %get3A_376 = arith.constant 0 : index
      %get3A_377 = tpu.vector_load %arg6[%get3A_375, %get3A_376] {strides = array<i32>} : memref<16x16xf32, #tpu.memory_space<vmem>>, vector<1x16xf32>,
      %get3A_378 = vector.shape_cast %get3A_377 : vector<1x16xf32> to vector<16xf32>
      %add3A_379 = arith.addf %get3A_373, %get3A_378 : vector<16xf32>
      %get3A_380 = arith.constant 1 : i32
      %get3A_381 = arith.index_cast %get3A_380 : i32 to index
      %get3A_382 = arith.constant 0 : index
      %get3A_383 = tpu.vector_load %arg5[%get3A_381, %get3A_382] {strides = array<i32>} : memref<16x16xf32, #tpu.memory_space<vmem>>, vector<1x16xf32>,
      %get3A_384 = vector.shape_cast %get3A_383 : vector<1x16xf32> to vector<16xf32>
      %get3A_385 = arith.constant 1 : i32
      %get3A_386 = arith.index_cast %get3A_385 : i32 to index
      %get3A_387 = arith.constant 0 : index
      %get3A_388 = tpu.vector_load %arg6[%get3A_386, %get3A_387] {strides = array<i32>} : memref<16x16xf32, #tpu.memory_space<vmem>>, vector<1x16xf32>,
      %get3A_389 = vector.shape_cast %get3A_388 : vector<1x16xf32> to vector<16xf32>
      %add3A_390 = arith.addf %get3A_384, %get3A_389 : vector<16xf32>
      %get3A_391 = arith.constant 2 : i32
      %get3A_392 = arith.index_cast %get3A_391 : i32 to index
      %get3A_393 = arith.constant 0 : index
      %get3A_394 = tpu.vector_load %arg5[%get3A_392, %get3A_393] {strides = array<i32>} : memref<16x16xf32, #tpu.memory_space<vmem>>, vector<1x16xf32>,
      %get3A_395 = vector.shape_cast %get3A_394 : vector<1x16xf32> to vector<16xf32>
      %get3A_396 = arith.constant 2 : i32
      %get3A_397 = arith.index_cast %get3A_396 : i32 to index
      %get3A_398 = arith.constant 0 : index
      %get3A_399 = tpu.vector_load %arg6[%get3A_397, %get3A_398] {strides = array<i32>} : memref<16x16xf32, #tpu.memory_space<vmem>>, vector<1x16xf32>,
      %get3A_400 = vector.shape_cast %get3A_399 : vector<1x16xf32> to vector<16xf32>
      %add3A_401 = arith.addf %get3A_395, %get3A_400 : vector<16xf32>
      %get3A_402 = arith.constant 3 : i32
      %get3A_403 = arith.index_cast %get3A_402 : i32 to index
      %get3A_404 = arith.constant 0 : index
      %get3A_405 = tpu.vector_load %arg5[%get3A_403, %get3A_404] {strides = array<i32>} : memref<16x16xf32, #tpu.memory_space<vmem>>, vector<1x16xf32>,
      %get3A_406 = vector.shape_cast %get3A_405 : vector<1x16xf32> to vector<16xf32>
      %get3A_407 = arith.constant 3 : i32
      %get3A_408 = arith.index_cast %get3A_407 : i32 to index
      %get3A_409 = arith.constant 0 : index
      %get3A_410 = tpu.vector_load %arg6[%get3A_408, %get3A_409] {strides = array<i32>} : memref<16x16xf32, #tpu.memory_space<vmem>>, vector<1x16xf32>,
      %get3A_411 = vector.shape_cast %get3A_410 : vector<1x16xf32> to vector<16xf32>
      %add3A_412 = arith.addf %get3A_406, %get3A_411 : vector<16xf32>
      %get3A_413 = arith.constant 4 : i32
      %get3A_414 = arith.index_cast %get3A_413 : i32 to index
      %get3A_415 = arith.constant 0 : index
      %get3A_416 = tpu.vector_load %arg5[%get3A_414, %get3A_415] {strides = array<i32>} : memref<16x16xf32, #tpu.memory_space<vmem>>, vector<1x16xf32>,
      %get3A_417 = vector.shape_cast %get3A_416 : vector<1x16xf32> to vector<16xf32>
      %get3A_418 = arith.constant 4 : i32
      %get3A_419 = arith.index_cast %get3A_418 : i32 to index
      %get3A_420 = arith.constant 0 : index
      %get3A_421 = tpu.vector_load %arg6[%get3A_419, %get3A_420] {strides = array<i32>} : memref<16x16xf32, #tpu.memory_space<vmem>>, vector<1x16xf32>,
      %get3A_422 = vector.shape_cast %get3A_421 : vector<1x16xf32> to vector<16xf32>
      %add3A_423 = arith.addf %get3A_417, %get3A_422 : vector<16xf32>
      %get3A_424 = arith.constant 5 : i32
      %get3A_425 = arith.index_cast %get3A_424 : i32 to index
      %get3A_426 = arith.constant 0 : index
      %get3A_427 = tpu.vector_load %arg5[%get3A_425, %get3A_426] {strides = array<i32>} : memref<16x16xf32, #tpu.memory_space<vmem>>, vector<1x16xf32>,
      %get3A_428 = vector.shape_cast %get3A_427 : vector<1x16xf32> to vector<16xf32>
      %get3A_429 = arith.constant 5 : i32
      %get3A_430 = arith.index_cast %get3A_429 : i32 to index
      %get3A_431 = arith.constant 0 : index
      %get3A_432 = tpu.vector_load %arg6[%get3A_430, %get3A_431] {strides = array<i32>} : memref<16x16xf32, #tpu.memory_space<vmem>>, vector<1x16xf32>,
      %get3A_433 = vector.shape_cast %get3A_432 : vector<1x16xf32> to vector<16xf32>
      %add3A_434 = arith.addf %get3A_428, %get3A_433 : vector<16xf32>
      %get3A_435 = arith.constant 6 : i32
      %get3A_436 = arith.index_cast %get3A_435 : i32 to index
      %get3A_437 = arith.constant 0 : index
      %get3A_438 = tpu.vector_load %arg5[%get3A_436, %get3A_437] {strides = array<i32>} : memref<16x16xf32, #tpu.memory_space<vmem>>, vector<1x16xf32>,
      %get3A_439 = vector.shape_cast %get3A_438 : vector<1x16xf32> to vector<16xf32>
      %get3A_440 = arith.constant 6 : i32
      %get3A_441 = arith.index_cast %get3A_440 : i32 to index
      %get3A_442 = arith.constant 0 : index
      %get3A_443 = tpu.vector_load %arg6[%get3A_441, %get3A_442] {strides = array<i32>} : memref<16x16xf32, #tpu.memory_space<vmem>>, vector<1x16xf32>,
      %get3A_444 = vector.shape_cast %get3A_443 : vector<1x16xf32> to vector<16xf32>
      %add3A_445 = arith.addf %get3A_439, %get3A_444 : vector<16xf32>
      %get3A_446 = arith.constant 7 : i32
      %get3A_447 = arith.index_cast %get3A_446 : i32 to index
      %get3A_448 = arith.constant 0 : index
      %get3A_449 = tpu.vector_load %arg5[%get3A_447, %get3A_448] {strides = array<i32>} : memref<16x16xf32, #tpu.memory_space<vmem>>, vector<1x16xf32>,
      %get3A_450 = vector.shape_cast %get3A_449 : vector<1x16xf32> to vector<16xf32>
      %get3A_451 = arith.constant 7 : i32
      %get3A_452 = arith.index_cast %get3A_451 : i32 to index
      %get3A_453 = arith.constant 0 : index
      %get3A_454 = tpu.vector_load %arg6[%get3A_452, %get3A_453] {strides = array<i32>} : memref<16x16xf32, #tpu.memory_space<vmem>>, vector<1x16xf32>,
      %get3A_455 = vector.shape_cast %get3A_454 : vector<1x16xf32> to vector<16xf32>
      %add3A_456 = arith.addf %get3A_450, %get3A_455 : vector<16xf32>
      %get3A_457 = arith.constant 8 : i32
      %get3A_458 = arith.index_cast %get3A_457 : i32 to index
      %get3A_459 = arith.constant 0 : index
      %get3A_460 = tpu.vector_load %arg5[%get3A_458, %get3A_459] {strides = array<i32>} : memref<16x16xf32, #tpu.memory_space<vmem>>, vector<1x16xf32>,
      %get3A_461 = vector.shape_cast %get3A_460 : vector<1x16xf32> to vector<16xf32>
      %get3A_462 = arith.constant 8 : i32
      %get3A_463 = arith.index_cast %get3A_462 : i32 to index
      %get3A_464 = arith.constant 0 : index
      %get3A_465 = tpu.vector_load %arg6[%get3A_463, %get3A_464] {strides = array<i32>} : memref<16x16xf32, #tpu.memory_space<vmem>>, vector<1x16xf32>,
      %get3A_466 = vector.shape_cast %get3A_465 : vector<1x16xf32> to vector<16xf32>
      %add3A_467 = arith.addf %get3A_461, %get3A_466 : vector<16xf32>
      %get3A_468 = arith.constant 9 : i32
      %get3A_469 = arith.index_cast %get3A_468 : i32 to index
      %get3A_470 = arith.constant 0 : index
      %get3A_471 = tpu.vector_load %arg5[%get3A_469, %get3A_470] {strides = array<i32>} : memref<16x16xf32, #tpu.memory_space<vmem>>, vector<1x16xf32>,
      %get3A_472 = vector.shape_cast %get3A_471 : vector<1x16xf32> to vector<16xf32>
      %get3A_473 = arith.constant 9 : i32
      %get3A_474 = arith.index_cast %get3A_473 : i32 to index
      %get3A_475 = arith.constant 0 : index
      %get3A_476 = tpu.vector_load %arg6[%get3A_474, %get3A_475] {strides = array<i32>} : memref<16x16xf32, #tpu.memory_space<vmem>>, vector<1x16xf32>,
      %get3A_477 = vector.shape_cast %get3A_476 : vector<1x16xf32> to vector<16xf32>
      %add3A_478 = arith.addf %get3A_472, %get3A_477 : vector<16xf32>
      %get3A_479 = arith.constant 10 : i32
      %get3A_480 = arith.index_cast %get3A_479 : i32 to index
      %get3A_481 = arith.constant 0 : index
      %get3A_482 = tpu.vector_load %arg5[%get3A_480, %get3A_481] {strides = array<i32>} : memref<16x16xf32, #tpu.memory_space<vmem>>, vector<1x16xf32>,
      %get3A_483 = vector.shape_cast %get3A_482 : vector<1x16xf32> to vector<16xf32>
      %get3A_484 = arith.constant 10 : i32
      %get3A_485 = arith.index_cast %get3A_484 : i32 to index
      %get3A_486 = arith.constant 0 : index
      %get3A_487 = tpu.vector_load %arg6[%get3A_485, %get3A_486] {strides = array<i32>} : memref<16x16xf32, #tpu.memory_space<vmem>>, vector<1x16xf32>,
      %get3A_488 = vector.shape_cast %get3A_487 : vector<1x16xf32> to vector<16xf32>
      %add3A_489 = arith.addf %get3A_483, %get3A_488 : vector<16xf32>
      %get3A_490 = arith.constant 11 : i32
      %get3A_491 = arith.index_cast %get3A_490 : i32 to index
      %get3A_492 = arith.constant 0 : index
      %get3A_493 = tpu.vector_load %arg5[%get3A_491, %get3A_492] {strides = array<i32>} : memref<16x16xf32, #tpu.memory_space<vmem>>, vector<1x16xf32>,
      %get3A_494 = vector.shape_cast %get3A_493 : vector<1x16xf32> to vector<16xf32>
      %get3A_495 = arith.constant 11 : i32
      %get3A_496 = arith.index_cast %get3A_495 : i32 to index
      %get3A_497 = arith.constant 0 : index
      %get3A_498 = tpu.vector_load %arg6[%get3A_496, %get3A_497] {strides = array<i32>} : memref<16x16xf32, #tpu.memory_space<vmem>>, vector<1x16xf32>,
      %get3A_499 = vector.shape_cast %get3A_498 : vector<1x16xf32> to vector<16xf32>
      %add3A_500 = arith.addf %get3A_494, %get3A_499 : vector<16xf32>
      %get3A_501 = arith.constant 12 : i32
      %get3A_502 = arith.index_cast %get3A_501 : i32 to index
      %get3A_503 = arith.constant 0 : index
      %get3A_504 = tpu.vector_load %arg5[%get3A_502, %get3A_503] {strides = array<i32>} : memref<16x16xf32, #tpu.memory_space<vmem>>, vector<1x16xf32>,
      %get3A_505 = vector.shape_cast %get3A_504 : vector<1x16xf32> to vector<16xf32>
      %get3A_506 = arith.constant 12 : i32
      %get3A_507 = arith.index_cast %get3A_506 : i32 to index
      %get3A_508 = arith.constant 0 : index
      %get3A_509 = tpu.vector_load %arg6[%get3A_507, %get3A_508] {strides = array<i32>} : memref<16x16xf32, #tpu.memory_space<vmem>>, vector<1x16xf32>,
      %get3A_510 = vector.shape_cast %get3A_509 : vector<1x16xf32> to vector<16xf32>
      %add3A_511 = arith.addf %get3A_505, %get3A_510 : vector<16xf32>
      %get3A_512 = arith.constant 13 : i32
      %get3A_513 = arith.index_cast %get3A_512 : i32 to index
      %get3A_514 = arith.constant 0 : index
      %get3A_515 = tpu.vector_load %arg5[%get3A_513, %get3A_514] {strides = array<i32>} : memref<16x16xf32, #tpu.memory_space<vmem>>, vector<1x16xf32>,
      %get3A_516 = vector.shape_cast %get3A_515 : vector<1x16xf32> to vector<16xf32>
      %get3A_517 = arith.constant 13 : i32
      %get3A_518 = arith.index_cast %get3A_517 : i32 to index
      %get3A_519 = arith.constant 0 : index
      %get3A_520 = tpu.vector_load %arg6[%get3A_518, %get3A_519] {strides = array<i32>} : memref<16x16xf32, #tpu.memory_space<vmem>>, vector<1x16xf32>,
      %get3A_521 = vector.shape_cast %get3A_520 : vector<1x16xf32> to vector<16xf32>
      %add3A_522 = arith.addf %get3A_516, %get3A_521 : vector<16xf32>
      %get3A_523 = arith.constant 14 : i32
      %get3A_524 = arith.index_cast %get3A_523 : i32 to index
      %get3A_525 = arith.constant 0 : index
      %get3A_526 = tpu.vector_load %arg5[%get3A_524, %get3A_525] {strides = array<i32>} : memref<16x16xf32, #tpu.memory_space<vmem>>, vector<1x16xf32>,
      %get3A_527 = vector.shape_cast %get3A_526 : vector<1x16xf32> to vector<16xf32>
      %get3A_528 = arith.constant 14 : i32
      %get3A_529 = arith.index_cast %get3A_528 : i32 to index
      %get3A_530 = arith.constant 0 : index
      %get3A_531 = tpu.vector_load %arg6[%get3A_529, %get3A_530] {strides = array<i32>} : memref<16x16xf32, #tpu.memory_space<vmem>>, vector<1x16xf32>,
      %get3A_532 = vector.shape_cast %get3A_531 : vector<1x16xf32> to vector<16xf32>
      %add3A_533 = arith.addf %get3A_527, %get3A_532 : vector<16xf32>
      %get3A_534 = arith.constant 15 : i32
      %get3A_535 = arith.index_cast %get3A_534 : i32 to index
      %get3A_536 = arith.constant 0 : index
      %get3A_537 = tpu.vector_load %arg5[%get3A_535, %get3A_536] {strides = array<i32>} : memref<16x16xf32, #tpu.memory_space<vmem>>, vector<1x16xf32>,
      %get3A_538 = vector.shape_cast %get3A_537 : vector<1x16xf32> to vector<16xf32>
      %get3A_539 = arith.constant 15 : i32
      %get3A_540 = arith.index_cast %get3A_539 : i32 to index
      %get3A_541 = arith.constant 0 : index
      %get3A_542 = tpu.vector_load %arg6[%get3A_540, %get3A_541] {strides = array<i32>} : memref<16x16xf32, #tpu.memory_space<vmem>>, vector<1x16xf32>,
      %get3A_543 = vector.shape_cast %get3A_542 : vector<1x16xf32> to vector<16xf32>
      %add3A_544 = arith.addf %get3A_538, %get3A_543 : vector<16xf32>
      %max3A_545 = arith.maximumf %add3A_379, %add3A_390 : vector<16xf32>
      %max3A_546 = arith.maximumf %max3A_545, %add3A_401 : vector<16xf32>
      %max3A_547 = arith.maximumf %max3A_546, %add3A_412 : vector<16xf32>
      %max3A_548 = arith.maximumf %max3A_547, %add3A_423 : vector<16xf32>
      %max3A_549 = arith.maximumf %max3A_548, %add3A_434 : vector<16xf32>
      %max3A_550 = arith.maximumf %max3A_549, %add3A_445 : vector<16xf32>
      %max3A_551 = arith.maximumf %max3A_550, %add3A_456 : vector<16xf32>
      %max3A_552 = arith.maximumf %max3A_551, %add3A_467 : vector<16xf32>
      %max3A_553 = arith.maximumf %max3A_552, %add3A_478 : vector<16xf32>
      %max3A_554 = arith.maximumf %max3A_553, %add3A_489 : vector<16xf32>
      %max3A_555 = arith.maximumf %max3A_554, %add3A_500 : vector<16xf32>
      %max3A_556 = arith.maximumf %max3A_555, %add3A_511 : vector<16xf32>
      %max3A_557 = arith.maximumf %max3A_556, %add3A_522 : vector<16xf32>
      %max3A_558 = arith.maximumf %max3A_557, %add3A_533 : vector<16xf32>
      %max3A_559 = arith.maximumf %max3A_558, %add3A_544 : vector<16xf32>
      %ge3A_560 = arith.cmpf oge, %add3A_379, %max3A_559 : vector<16xf32>
      %get3A_561 = arith.constant 0 : i32
      %get3A_562 = arith.index_cast %get3A_561 : i32 to index
      %get3A_563 = arith.constant 0 : index
      %get3A_564 = tpu.vector_load %arg5[%get3A_562, %get3A_563] {strides = array<i32>} : memref<16x16xf32, #tpu.memory_space<vmem>>, vector<1x16xf32>,
      %get3A_565 = vector.shape_cast %get3A_564 : vector<1x16xf32> to vector<16xf32>
      %select_n3A_566 = arith.select %ge3A_560, %get3A_565, %broadcast_in_dim3A_1 : vector<16xi1>, vector<16xf32>
      %add3A_567 = arith.addf %broadcast_in_dim3A_1, %select_n3A_566 : vector<16xf32>
      %ge3A_568 = arith.cmpf oge, %add3A_390, %max3A_559 : vector<16xf32>
      %get3A_569 = arith.constant 1 : i32
      %get3A_570 = arith.index_cast %get3A_569 : i32 to index
      %get3A_571 = arith.constant 0 : index
      %get3A_572 = tpu.vector_load %arg5[%get3A_570, %get3A_571] {strides = array<i32>} : memref<16x16xf32, #tpu.memory_space<vmem>>, vector<1x16xf32>,
      %get3A_573 = vector.shape_cast %get3A_572 : vector<1x16xf32> to vector<16xf32>
      %select_n3A_574 = arith.select %ge3A_568, %get3A_573, %broadcast_in_dim3A_1 : vector<16xi1>, vector<16xf32>
      %add3A_575 = arith.addf %add3A_567, %select_n3A_574 : vector<16xf32>
      %ge3A_576 = arith.cmpf oge, %add3A_401, %max3A_559 : vector<16xf32>
      %get3A_577 = arith.constant 2 : i32
      %get3A_578 = arith.index_cast %get3A_577 : i32 to index
      %get3A_579 = arith.constant 0 : index
      %get3A_580 = tpu.vector_load %arg5[%get3A_578, %get3A_579] {strides = array<i32>} : memref<16x16xf32, #tpu.memory_space<vmem>>, vector<1x16xf32>,
      %get3A_581 = vector.shape_cast %get3A_580 : vector<1x16xf32> to vector<16xf32>
      %select_n3A_582 = arith.select %ge3A_576, %get3A_581, %broadcast_in_dim3A_1 : vector<16xi1>, vector<16xf32>
      %add3A_583 = arith.addf %add3A_575, %select_n3A_582 : vector<16xf32>
      %ge3A_584 = arith.cmpf oge, %add3A_412, %max3A_559 : vector<16xf32>
      %get3A_585 = arith.constant 3 : i32
      %get3A_586 = arith.index_cast %get3A_585 : i32 to index
      %get3A_587 = arith.constant 0 : index
      %get3A_588 = tpu.vector_load %arg5[%get3A_586, %get3A_587] {strides = array<i32>} : memref<16x16xf32, #tpu.memory_space<vmem>>, vector<1x16xf32>,
      %get3A_589 = vector.shape_cast %get3A_588 : vector<1x16xf32> to vector<16xf32>
      %select_n3A_590 = arith.select %ge3A_584, %get3A_589, %broadcast_in_dim3A_1 : vector<16xi1>, vector<16xf32>
      %add3A_591 = arith.addf %add3A_583, %select_n3A_590 : vector<16xf32>
      %ge3A_592 = arith.cmpf oge, %add3A_423, %max3A_559 : vector<16xf32>
      %get3A_593 = arith.constant 4 : i32
      %get3A_594 = arith.index_cast %get3A_593 : i32 to index
      %get3A_595 = arith.constant 0 : index
      %get3A_596 = tpu.vector_load %arg5[%get3A_594, %get3A_595] {strides = array<i32>} : memref<16x16xf32, #tpu.memory_space<vmem>>, vector<1x16xf32>,
      %get3A_597 = vector.shape_cast %get3A_596 : vector<1x16xf32> to vector<16xf32>
      %select_n3A_598 = arith.select %ge3A_592, %get3A_597, %broadcast_in_dim3A_1 : vector<16xi1>, vector<16xf32>
      %add3A_599 = arith.addf %add3A_591, %select_n3A_598 : vector<16xf32>
      %ge3A_600 = arith.cmpf oge, %add3A_434, %max3A_559 : vector<16xf32>
      %get3A_601 = arith.constant 5 : i32
      %get3A_602 = arith.index_cast %get3A_601 : i32 to index
      %get3A_603 = arith.constant 0 : index
      %get3A_604 = tpu.vector_load %arg5[%get3A_602, %get3A_603] {strides = array<i32>} : memref<16x16xf32, #tpu.memory_space<vmem>>, vector<1x16xf32>,
      %get3A_605 = vector.shape_cast %get3A_604 : vector<1x16xf32> to vector<16xf32>
      %select_n3A_606 = arith.select %ge3A_600, %get3A_605, %broadcast_in_dim3A_1 : vector<16xi1>, vector<16xf32>
      %add3A_607 = arith.addf %add3A_599, %select_n3A_606 : vector<16xf32>
      %ge3A_608 = arith.cmpf oge, %add3A_445, %max3A_559 : vector<16xf32>
      %get3A_609 = arith.constant 6 : i32
      %get3A_610 = arith.index_cast %get3A_609 : i32 to index
      %get3A_611 = arith.constant 0 : index
      %get3A_612 = tpu.vector_load %arg5[%get3A_610, %get3A_611] {strides = array<i32>} : memref<16x16xf32, #tpu.memory_space<vmem>>, vector<1x16xf32>,
      %get3A_613 = vector.shape_cast %get3A_612 : vector<1x16xf32> to vector<16xf32>
      %select_n3A_614 = arith.select %ge3A_608, %get3A_613, %broadcast_in_dim3A_1 : vector<16xi1>, vector<16xf32>
      %add3A_615 = arith.addf %add3A_607, %select_n3A_614 : vector<16xf32>
      %ge3A_616 = arith.cmpf oge, %add3A_456, %max3A_559 : vector<16xf32>
      %get3A_617 = arith.constant 7 : i32
      %get3A_618 = arith.index_cast %get3A_617 : i32 to index
      %get3A_619 = arith.constant 0 : index
      %get3A_620 = tpu.vector_load %arg5[%get3A_618, %get3A_619] {strides = array<i32>} : memref<16x16xf32, #tpu.memory_space<vmem>>, vector<1x16xf32>,
      %get3A_621 = vector.shape_cast %get3A_620 : vector<1x16xf32> to vector<16xf32>
      %select_n3A_622 = arith.select %ge3A_616, %get3A_621, %broadcast_in_dim3A_1 : vector<16xi1>, vector<16xf32>
      %add3A_623 = arith.addf %add3A_615, %select_n3A_622 : vector<16xf32>
      %ge3A_624 = arith.cmpf oge, %add3A_467, %max3A_559 : vector<16xf32>
      %get3A_625 = arith.constant 8 : i32
      %get3A_626 = arith.index_cast %get3A_625 : i32 to index
      %get3A_627 = arith.constant 0 : index
      %get3A_628 = tpu.vector_load %arg5[%get3A_626, %get3A_627] {strides = array<i32>} : memref<16x16xf32, #tpu.memory_space<vmem>>, vector<1x16xf32>,
      %get3A_629 = vector.shape_cast %get3A_628 : vector<1x16xf32> to vector<16xf32>
      %select_n3A_630 = arith.select %ge3A_624, %get3A_629, %broadcast_in_dim3A_1 : vector<16xi1>, vector<16xf32>
      %add3A_631 = arith.addf %add3A_623, %select_n3A_630 : vector<16xf32>
      %ge3A_632 = arith.cmpf oge, %add3A_478, %max3A_559 : vector<16xf32>
      %get3A_633 = arith.constant 9 : i32
      %get3A_634 = arith.index_cast %get3A_633 : i32 to index
      %get3A_635 = arith.constant 0 : index
      %get3A_636 = tpu.vector_load %arg5[%get3A_634, %get3A_635] {strides = array<i32>} : memref<16x16xf32, #tpu.memory_space<vmem>>, vector<1x16xf32>,
      %get3A_637 = vector.shape_cast %get3A_636 : vector<1x16xf32> to vector<16xf32>
      %select_n3A_638 = arith.select %ge3A_632, %get3A_637, %broadcast_in_dim3A_1 : vector<16xi1>, vector<16xf32>
      %add3A_639 = arith.addf %add3A_631, %select_n3A_638 : vector<16xf32>
      %ge3A_640 = arith.cmpf oge, %add3A_489, %max3A_559 : vector<16xf32>
      %get3A_641 = arith.constant 10 : i32
      %get3A_642 = arith.index_cast %get3A_641 : i32 to index
      %get3A_643 = arith.constant 0 : index
      %get3A_644 = tpu.vector_load %arg5[%get3A_642, %get3A_643] {strides = array<i32>} : memref<16x16xf32, #tpu.memory_space<vmem>>, vector<1x16xf32>,
      %get3A_645 = vector.shape_cast %get3A_644 : vector<1x16xf32> to vector<16xf32>
      %select_n3A_646 = arith.select %ge3A_640, %get3A_645, %broadcast_in_dim3A_1 : vector<16xi1>, vector<16xf32>
      %add3A_647 = arith.addf %add3A_639, %select_n3A_646 : vector<16xf32>
      %ge3A_648 = arith.cmpf oge, %add3A_500, %max3A_559 : vector<16xf32>
      %get3A_649 = arith.constant 11 : i32
      %get3A_650 = arith.index_cast %get3A_649 : i32 to index
      %get3A_651 = arith.constant 0 : index
      %get3A_652 = tpu.vector_load %arg5[%get3A_650, %get3A_651] {strides = array<i32>} : memref<16x16xf32, #tpu.memory_space<vmem>>, vector<1x16xf32>,
      %get3A_653 = vector.shape_cast %get3A_652 : vector<1x16xf32> to vector<16xf32>
      %select_n3A_654 = arith.select %ge3A_648, %get3A_653, %broadcast_in_dim3A_1 : vector<16xi1>, vector<16xf32>
      %add3A_655 = arith.addf %add3A_647, %select_n3A_654 : vector<16xf32>
      %ge3A_656 = arith.cmpf oge, %add3A_511, %max3A_559 : vector<16xf32>
      %get3A_657 = arith.constant 12 : i32
      %get3A_658 = arith.index_cast %get3A_657 : i32 to index
      %get3A_659 = arith.constant 0 : index
      %get3A_660 = tpu.vector_load %arg5[%get3A_658, %get3A_659] {strides = array<i32>} : memref<16x16xf32, #tpu.memory_space<vmem>>, vector<1x16xf32>,
      %get3A_661 = vector.shape_cast %get3A_660 : vector<1x16xf32> to vector<16xf32>
      %select_n3A_662 = arith.select %ge3A_656, %get3A_661, %broadcast_in_dim3A_1 : vector<16xi1>, vector<16xf32>
      %add3A_663 = arith.addf %add3A_655, %select_n3A_662 : vector<16xf32>
      %ge3A_664 = arith.cmpf oge, %add3A_522, %max3A_559 : vector<16xf32>
      %get3A_665 = arith.constant 13 : i32
      %get3A_666 = arith.index_cast %get3A_665 : i32 to index
      %get3A_667 = arith.constant 0 : index
      %get3A_668 = tpu.vector_load %arg5[%get3A_666, %get3A_667] {strides = array<i32>} : memref<16x16xf32, #tpu.memory_space<vmem>>, vector<1x16xf32>,
      %get3A_669 = vector.shape_cast %get3A_668 : vector<1x16xf32> to vector<16xf32>
      %select_n3A_670 = arith.select %ge3A_664, %get3A_669, %broadcast_in_dim3A_1 : vector<16xi1>, vector<16xf32>
      %add3A_671 = arith.addf %add3A_663, %select_n3A_670 : vector<16xf32>
      %ge3A_672 = arith.cmpf oge, %add3A_533, %max3A_559 : vector<16xf32>
      %get3A_673 = arith.constant 14 : i32
      %get3A_674 = arith.index_cast %get3A_673 : i32 to index
      %get3A_675 = arith.constant 0 : index
      %get3A_676 = tpu.vector_load %arg5[%get3A_674, %get3A_675] {strides = array<i32>} : memref<16x16xf32, #tpu.memory_space<vmem>>, vector<1x16xf32>,
      %get3A_677 = vector.shape_cast %get3A_676 : vector<1x16xf32> to vector<16xf32>
      %select_n3A_678 = arith.select %ge3A_672, %get3A_677, %broadcast_in_dim3A_1 : vector<16xi1>, vector<16xf32>
      %add3A_679 = arith.addf %add3A_671, %select_n3A_678 : vector<16xf32>
      %ge3A_680 = arith.cmpf oge, %add3A_544, %max3A_559 : vector<16xf32>
      %get3A_681 = arith.constant 15 : i32
      %get3A_682 = arith.index_cast %get3A_681 : i32 to index
      %get3A_683 = arith.constant 0 : index
      %get3A_684 = tpu.vector_load %arg5[%get3A_682, %get3A_683] {strides = array<i32>} : memref<16x16xf32, #tpu.memory_space<vmem>>, vector<1x16xf32>,
      %get3A_685 = vector.shape_cast %get3A_684 : vector<1x16xf32> to vector<16xf32>
      %select_n3A_686 = arith.select %ge3A_680, %get3A_685, %broadcast_in_dim3A_1 : vector<16xi1>, vector<16xf32>
      %add3A_687 = arith.addf %add3A_679, %select_n3A_686 : vector<16xf32>
      %swap3A_688 = arith.constant 1 : i32
      %swap3A_689 = arith.index_cast %swap3A_688 : i32 to index
      %swap3A_690 = arith.constant 0 : index
      %swap3A_691 = tpu.vector_load %arg7[%swap3A_689, %swap3A_690] {strides = array<i32>} : memref<8x16xf32, #tpu.memory_space<vmem>>, vector<1x16xf32>,
      %swap3A_692 = vector.shape_cast %swap3A_691 : vector<1x16xf32> to vector<16xf32>
      %swap3A_693 = vector.shape_cast %add3A_687 : vector<16xf32> to vector<1x16xf32>
      tpu.vector_store %arg7[%swap3A_689, %swap3A_690], %swap3A_693 {strides = array<i32>} : memref<8x16xf32, #tpu.memory_space<vmem>>, vector<1x16xf32>,
    } else {
    }
    %ge3A_324 = arith.constant 16 : i32
    %ge3A_325 = arith.cmpi sge, %add3A, %ge3A_324 : i32
    %convert_element_type3A_326 = arith.extui %ge3A_325 : i1 to i32
    %cond3A_327 = arith.constant 0 : i32
    %cond3A_328 = arith.cmpi ne, %convert_element_type3A_326, %cond3A_327 : i32
    scf.if %cond3A_328 {
      %swap3A_367 = arith.constant 1 : i32
      %swap3A_368 = arith.index_cast %swap3A_367 : i32 to index
      %swap3A_369 = arith.constant 0 : index
      %swap3A_370 = tpu.vector_load %arg7[%swap3A_368, %swap3A_369] {strides = array<i32>} : memref<8x16xf32, #tpu.memory_space<vmem>>, vector<1x16xf32>,
      %swap3A_371 = vector.shape_cast %swap3A_370 : vector<1x16xf32> to vector<16xf32>
      %swap3A_372 = vector.shape_cast %broadcast_in_dim3A_1 : vector<16xf32> to vector<1x16xf32>
      tpu.vector_store %arg7[%swap3A_368, %swap3A_369], %swap3A_372 {strides = array<i32>} : memref<8x16xf32, #tpu.memory_space<vmem>>, vector<1x16xf32>,
    } else {
    }
    %swap3A_329 = arith.constant 2 : i32
    %swap3A_330 = arith.index_cast %swap3A_329 : i32 to index
    %swap3A_331 = arith.constant 0 : index
    %swap3A_332 = tpu.vector_load %arg7[%swap3A_330, %swap3A_331] {strides = array<i32>} : memref<8x16xf32, #tpu.memory_space<vmem>>, vector<1x16xf32>,
    %swap3A_333 = vector.shape_cast %swap3A_332 : vector<1x16xf32> to vector<16xf32>
    %swap3A_334 = vector.shape_cast %broadcast_in_dim3A_1 : vector<16xf32> to vector<1x16xf32>
    tpu.vector_store %arg7[%swap3A_330, %swap3A_331], %swap3A_334 {strides = array<i32>} : memref<8x16xf32, #tpu.memory_space<vmem>>, vector<1x16xf32>,
    %swap3A_335 = arith.constant 3 : i32
    %swap3A_336 = arith.index_cast %swap3A_335 : i32 to index
    %swap3A_337 = arith.constant 0 : index
    %swap3A_338 = tpu.vector_load %arg7[%swap3A_336, %swap3A_337] {strides = array<i32>} : memref<8x16xf32, #tpu.memory_space<vmem>>, vector<1x16xf32>,
    %swap3A_339 = vector.shape_cast %swap3A_338 : vector<1x16xf32> to vector<16xf32>
    %swap3A_340 = vector.shape_cast %broadcast_in_dim3A_1 : vector<16xf32> to vector<1x16xf32>
    tpu.vector_store %arg7[%swap3A_336, %swap3A_337], %swap3A_340 {strides = array<i32>} : memref<8x16xf32, #tpu.memory_space<vmem>>, vector<1x16xf32>,
    %swap3A_341 = arith.constant 4 : i32
    %swap3A_342 = arith.index_cast %swap3A_341 : i32 to index
    %swap3A_343 = arith.constant 0 : index
    %swap3A_344 = tpu.vector_load %arg7[%swap3A_342, %swap3A_343] {strides = array<i32>} : memref<8x16xf32, #tpu.memory_space<vmem>>, vector<1x16xf32>,
    %swap3A_345 = vector.shape_cast %swap3A_344 : vector<1x16xf32> to vector<16xf32>
    %swap3A_346 = vector.shape_cast %broadcast_in_dim3A_1 : vector<16xf32> to vector<1x16xf32>
    tpu.vector_store %arg7[%swap3A_342, %swap3A_343], %swap3A_346 {strides = array<i32>} : memref<8x16xf32, #tpu.memory_space<vmem>>, vector<1x16xf32>,
    %swap3A_347 = arith.constant 5 : i32
    %swap3A_348 = arith.index_cast %swap3A_347 : i32 to index
    %swap3A_349 = arith.constant 0 : index
    %swap3A_350 = tpu.vector_load %arg7[%swap3A_348, %swap3A_349] {strides = array<i32>} : memref<8x16xf32, #tpu.memory_space<vmem>>, vector<1x16xf32>,
    %swap3A_351 = vector.shape_cast %swap3A_350 : vector<1x16xf32> to vector<16xf32>
    %swap3A_352 = vector.shape_cast %broadcast_in_dim3A_1 : vector<16xf32> to vector<1x16xf32>
    tpu.vector_store %arg7[%swap3A_348, %swap3A_349], %swap3A_352 {strides = array<i32>} : memref<8x16xf32, #tpu.memory_space<vmem>>, vector<1x16xf32>,
    %swap3A_353 = arith.constant 6 : i32
    %swap3A_354 = arith.index_cast %swap3A_353 : i32 to index
    %swap3A_355 = arith.constant 0 : index
    %swap3A_356 = tpu.vector_load %arg7[%swap3A_354, %swap3A_355] {strides = array<i32>} : memref<8x16xf32, #tpu.memory_space<vmem>>, vector<1x16xf32>,
    %swap3A_357 = vector.shape_cast %swap3A_356 : vector<1x16xf32> to vector<16xf32>
    %swap3A_358 = vector.shape_cast %broadcast_in_dim3A_1 : vector<16xf32> to vector<1x16xf32>
    tpu.vector_store %arg7[%swap3A_354, %swap3A_355], %swap3A_358 {strides = array<i32>} : memref<8x16xf32, #tpu.memory_space<vmem>>, vector<1x16xf32>,
    %swap3A_359 = arith.constant 7 : i32
    %swap3A_360 = arith.index_cast %swap3A_359 : i32 to index
    %swap3A_361 = arith.constant 0 : index
    %swap3A_362 = tpu.vector_load %arg7[%swap3A_360, %swap3A_361] {strides = array<i32>} : memref<8x16xf32, #tpu.memory_space<vmem>>, vector<1x16xf32>,
    %swap3A_363 = vector.shape_cast %swap3A_362 : vector<1x16xf32> to vector<16xf32>
    %swap3A_364 = vector.shape_cast %broadcast_in_dim3A_1 : vector<16xf32> to vector<1x16xf32>
    tpu.vector_store %arg7[%swap3A_360, %swap3A_361], %swap3A_364 {strides = array<i32>} : memref<8x16xf32, #tpu.memory_space<vmem>>, vector<1x16xf32>,
    %mul3A_365 = arith.constant 8 : i32
    %mul3A_366 = arith.muli %add3A, %mul3A_365 : i32
    %multiple_of3A = tpu.assume_multiple %mul3A_366, 8 : i32
    "tpu.region"() ({
      %run_scoped3A = tpu.sem_alloc : memref<!tpu.dma_semaphore, #tpu.memory_space<semaphore_mem>>
      %dma_start3A = arith.constant 0 : i32
      %dma_start3A_367 = tpu.memref_slice %arg4[%multiple_of3A, %dma_start3A] : memref<256x16xf32, #tpu.memory_space<hbm>> -> memref<8x16xf32, #tpu.memory_space<hbm>>
      %dma_start3A_368 = arith.constant 0 : i32
      %dma_start3A_369 = tpu.memref_slice %arg4[%multiple_of3A, %dma_start3A_368] : memref<256x16xf32, #tpu.memory_space<hbm>> -> memref<8x16xf32, #tpu.memory_space<hbm>>
      tpu.enqueue_dma source(%arg7 : memref<8x16xf32, #tpu.memory_space<vmem>>) target(%dma_start3A_369 : memref<8x16xf32, #tpu.memory_space<hbm>>) target_semaphore(%run_scoped3A : memref<!tpu.dma_semaphore, #tpu.memory_space<semaphore_mem>>)
      %dma_wait3A = arith.constant 0 : i32
      %dma_wait3A_370 = tpu.memref_slice %arg4[%multiple_of3A, %dma_wait3A] : memref<256x16xf32, #tpu.memory_space<hbm>> -> memref<8x16xf32, #tpu.memory_space<hbm>>
      %dma_wait3A_371 = arith.constant 0 : i32
      %dma_wait3A_372 = tpu.memref_slice %arg4[%multiple_of3A, %dma_wait3A_371] : memref<256x16xf32, #tpu.memory_space<hbm>> -> memref<8x16xf32, #tpu.memory_space<hbm>>
      tpu.wait_dma2 semaphore(%run_scoped3A : memref<!tpu.dma_semaphore, #tpu.memory_space<semaphore_mem>>) src(%arg7 : memref<8x16xf32, #tpu.memory_space<vmem>>) dst(%dma_wait3A_372 : memref<8x16xf32, #tpu.memory_space<hbm>>)
      tpu.yield
    }) : () -> ()
    return
  }
}

module attributes {stable_mosaic.version = 14 : i64} {
  func.func @_attn_stream_kernel(%arg0: i32, %arg1: memref<256x4x1024xf32, #tpu.memory_space<vmem>>, %arg2: memref<1024x8xf32, #tpu.memory_space<vmem>>, %arg3: memref<8x1024xf32, #tpu.memory_space<vmem>>, %arg4: memref<1x8xf32, #tpu.memory_space<vmem>>, %arg5: memref<1x8xf32, #tpu.memory_space<vmem>>, %arg6: memref<8x1024xf32, #tpu.memory_space<vmem>>) attributes {dimension_semantics = [#tpu.dimension_semantics<arbitrary>], iteration_bounds = array<i64: 8>, scalar_prefetch = 0 : i64, scratch_operands = 3 : i64, tpu.core_type = #tpu.core_type<tc>, window_params = [{transform_indices = @transform_0, window_bounds = array<i64: 256, 4, 1024>}, {pipeline_mode = #tpu.pipeline_mode<synchronous>, transform_indices = @transform_1, window_bounds = array<i64: 1024, 8>}, {pipeline_mode = #tpu.pipeline_mode<synchronous>, transform_indices = @transform_2, window_bounds = array<i64: 8, 1024>}]} {
    %eq3A = arith.constant 0 : i32
    %eq3A_0 = arith.cmpi eq, %arg0, %eq3A : i32
    %convert_element_type3A = arith.extui %eq3A_0 : i1 to i32
    %cond3A = arith.constant 0 : i32
    %cond3A_1 = arith.cmpi ne, %convert_element_type3A, %cond3A : i32
    scf.if %cond3A_1 {
      %broadcast_in_dim3A_78 = arith.constant -1.000000e+30 : f32
      %broadcast_in_dim3A_79 = vector.broadcast %broadcast_in_dim3A_78 : f32 to vector<1x8xf32>
      %swap3A_80 = arith.constant 0 : index
      %swap3A_81 = arith.constant 0 : index
      %swap3A_82 = vector.load %arg4[%swap3A_80, %swap3A_81] : memref<1x8xf32, #tpu.memory_space<vmem>>, vector<1x8xf32>
      tpu.vector_store %arg4[%swap3A_80, %swap3A_81], %broadcast_in_dim3A_79 {strides = array<i32>} : memref<1x8xf32, #tpu.memory_space<vmem>>, vector<1x8xf32>,
      %broadcast_in_dim3A_83 = arith.constant 0.000000e+00 : f32
      %broadcast_in_dim3A_84 = vector.broadcast %broadcast_in_dim3A_83 : f32 to vector<1x8xf32>
      %swap3A_85 = arith.constant 0 : index
      %swap3A_86 = arith.constant 0 : index
      %swap3A_87 = vector.load %arg5[%swap3A_85, %swap3A_86] : memref<1x8xf32, #tpu.memory_space<vmem>>, vector<1x8xf32>
      tpu.vector_store %arg5[%swap3A_85, %swap3A_86], %broadcast_in_dim3A_84 {strides = array<i32>} : memref<1x8xf32, #tpu.memory_space<vmem>>, vector<1x8xf32>,
      %broadcast_in_dim3A_88 = arith.constant 0.000000e+00 : f32
      %broadcast_in_dim3A_89 = vector.broadcast %broadcast_in_dim3A_88 : f32 to vector<8x1024xf32>
      %swap3A_90 = arith.constant 0 : index
      %swap3A_91 = arith.constant 0 : index
      %swap3A_92 = vector.load %arg6[%swap3A_90, %swap3A_91] : memref<8x1024xf32, #tpu.memory_space<vmem>>, vector<8x1024xf32>
      tpu.vector_store %arg6[%swap3A_90, %swap3A_91], %broadcast_in_dim3A_89 {strides = array<i32>} : memref<8x1024xf32, #tpu.memory_space<vmem>>, vector<8x1024xf32>,
    } else {
    }
    %get3A = arith.constant 0 : index
    %get3A_2 = arith.constant 0 : index
    %get3A_3 = vector.load %arg2[%get3A, %get3A_2] : memref<1024x8xf32, #tpu.memory_space<vmem>>, vector<1024x8xf32>
    %get3A_4 = arith.constant 0 : index
    %get3A_5 = arith.constant 0 : index
    %get3A_6 = arith.constant 0 : index
    %get3A_7 = vector.load %arg1[%get3A_4, %get3A_5, %get3A_6] : memref<256x4x1024xf32, #tpu.memory_space<vmem>>, vector<256x1x1024xf32>
    %get3A_8 = vector.shape_cast %get3A_7 : vector<256x1x1024xf32> to vector<256x1024xf32>
    %slice3A = vector.extract_strided_slice %get3A_3 {offsets = [0, 0], sizes = [1024, 2], strides = [1, 1]} : vector<1024x8xf32> to vector<1024x2xf32>
    %dot_general3A = arith.constant dense<0.000000e+00> : vector<256x2xf32>
    %dot_general3A_9 = tpu.matmul %get3A_8, %slice3A, %dot_general3A {dimension_numbers = #tpu.dot_dimension_numbers<[1], [0], [0], [1], [0, 0, 1, 1], [], []>, transpose_lhs_hint = false} : vector<256x1024xf32>, vector<1024x2xf32>, vector<256x2xf32> -> vector<256x2xf32>
    %get3A_10 = arith.constant 0 : index
    %get3A_11 = arith.constant 1 : index
    %get3A_12 = arith.constant 0 : index
    %get3A_13 = vector.load %arg1[%get3A_10, %get3A_11, %get3A_12] : memref<256x4x1024xf32, #tpu.memory_space<vmem>>, vector<256x1x1024xf32>
    %get3A_14 = vector.shape_cast %get3A_13 : vector<256x1x1024xf32> to vector<256x1024xf32>
    %slice3A_15 = vector.extract_strided_slice %get3A_3 {offsets = [0, 2], sizes = [1024, 2], strides = [1, 1]} : vector<1024x8xf32> to vector<1024x2xf32>
    %dot_general3A_16 = arith.constant dense<0.000000e+00> : vector<256x2xf32>
    %dot_general3A_17 = tpu.matmul %get3A_14, %slice3A_15, %dot_general3A_16 {dimension_numbers = #tpu.dot_dimension_numbers<[1], [0], [0], [1], [0, 0, 1, 1], [], []>, transpose_lhs_hint = false} : vector<256x1024xf32>, vector<1024x2xf32>, vector<256x2xf32> -> vector<256x2xf32>
    %get3A_18 = arith.constant 0 : index
    %get3A_19 = arith.constant 2 : index
    %get3A_20 = arith.constant 0 : index
    %get3A_21 = vector.load %arg1[%get3A_18, %get3A_19, %get3A_20] : memref<256x4x1024xf32, #tpu.memory_space<vmem>>, vector<256x1x1024xf32>
    %get3A_22 = vector.shape_cast %get3A_21 : vector<256x1x1024xf32> to vector<256x1024xf32>
    %slice3A_23 = vector.extract_strided_slice %get3A_3 {offsets = [0, 4], sizes = [1024, 2], strides = [1, 1]} : vector<1024x8xf32> to vector<1024x2xf32>
    %dot_general3A_24 = arith.constant dense<0.000000e+00> : vector<256x2xf32>
    %dot_general3A_25 = tpu.matmul %get3A_22, %slice3A_23, %dot_general3A_24 {dimension_numbers = #tpu.dot_dimension_numbers<[1], [0], [0], [1], [0, 0, 1, 1], [], []>, transpose_lhs_hint = false} : vector<256x1024xf32>, vector<1024x2xf32>, vector<256x2xf32> -> vector<256x2xf32>
    %get3A_26 = arith.constant 0 : index
    %get3A_27 = arith.constant 3 : index
    %get3A_28 = arith.constant 0 : index
    %get3A_29 = vector.load %arg1[%get3A_26, %get3A_27, %get3A_28] : memref<256x4x1024xf32, #tpu.memory_space<vmem>>, vector<256x1x1024xf32>
    %get3A_30 = vector.shape_cast %get3A_29 : vector<256x1x1024xf32> to vector<256x1024xf32>
    %slice3A_31 = vector.extract_strided_slice %get3A_3 {offsets = [0, 6], sizes = [1024, 2], strides = [1, 1]} : vector<1024x8xf32> to vector<1024x2xf32>
    %dot_general3A_32 = arith.constant dense<0.000000e+00> : vector<256x2xf32>
    %dot_general3A_33 = tpu.matmul %get3A_30, %slice3A_31, %dot_general3A_32 {dimension_numbers = #tpu.dot_dimension_numbers<[1], [0], [0], [1], [0, 0, 1, 1], [], []>, transpose_lhs_hint = false} : vector<256x1024xf32>, vector<1024x2xf32>, vector<256x2xf32> -> vector<256x2xf32>
    %concatenate3A = tpu.concatenate %dot_general3A_9, %dot_general3A_17, %dot_general3A_25, %dot_general3A_33 in 1 : vector<256x2xf32>, vector<256x2xf32>, vector<256x2xf32>, vector<256x2xf32> -> vector<256x8xf32>
    %get3A_34 = arith.constant 0 : index
    %get3A_35 = arith.constant 0 : index
    %get3A_36 = vector.load %arg4[%get3A_34, %get3A_35] : memref<1x8xf32, #tpu.memory_space<vmem>>, vector<1x8xf32>
    %reduce_max3A = arith.constant dense<0xFF800000> : vector<8xf32>
    %reduce_max3A_37 = vector.multi_reduction <maximumf>, %concatenate3A, %reduce_max3A [0] : vector<256x8xf32> to vector<8xf32>
    %broadcast_in_dim3A = vector.shape_cast %reduce_max3A_37 : vector<8xf32> to vector<1x8xf32>
    %max3A = arith.maximumf %get3A_36, %broadcast_in_dim3A : vector<1x8xf32>
    %sub3A = arith.subf %get3A_36, %max3A : vector<1x8xf32>
    %exp3A = math.exp %sub3A : vector<1x8xf32>
    %sub3A_38 = vector.broadcast %max3A : vector<1x8xf32> to vector<256x8xf32>
    %sub3A_39 = arith.subf %concatenate3A, %sub3A_38 : vector<256x8xf32>
    %exp3A_40 = math.exp %sub3A_39 : vector<256x8xf32>
    %swap3A = arith.constant 0 : index
    %swap3A_41 = arith.constant 0 : index
    %swap3A_42 = vector.load %arg4[%swap3A, %swap3A_41] : memref<1x8xf32, #tpu.memory_space<vmem>>, vector<1x8xf32>
    tpu.vector_store %arg4[%swap3A, %swap3A_41], %max3A {strides = array<i32>} : memref<1x8xf32, #tpu.memory_space<vmem>>, vector<1x8xf32>,
    %get3A_43 = arith.constant 0 : index
    %get3A_44 = arith.constant 0 : index
    %get3A_45 = vector.load %arg5[%get3A_43, %get3A_44] : memref<1x8xf32, #tpu.memory_space<vmem>>, vector<1x8xf32>
    %mul3A = arith.mulf %get3A_45, %exp3A : vector<1x8xf32>
    %reduce_sum3A = arith.constant dense<0.000000e+00> : vector<8xf32>
    %reduce_sum3A_46 = vector.multi_reduction <add>, %exp3A_40, %reduce_sum3A [0] : vector<256x8xf32> to vector<8xf32>
    %broadcast_in_dim3A_47 = vector.shape_cast %reduce_sum3A_46 : vector<8xf32> to vector<1x8xf32>
    %add3A = arith.addf %mul3A, %broadcast_in_dim3A_47 : vector<1x8xf32>
    %swap3A_48 = arith.constant 0 : index
    %swap3A_49 = arith.constant 0 : index
    %swap3A_50 = vector.load %arg5[%swap3A_48, %swap3A_49] : memref<1x8xf32, #tpu.memory_space<vmem>>, vector<1x8xf32>
    tpu.vector_store %arg5[%swap3A_48, %swap3A_49], %add3A {strides = array<i32>} : memref<1x8xf32, #tpu.memory_space<vmem>>, vector<1x8xf32>,
    %transpose3A = tpu.transpose %exp3A_40, [1, 0] : vector<256x8xf32> -> vector<8x256xf32>
    %slice3A_51 = vector.extract_strided_slice %transpose3A {offsets = [0, 0], sizes = [2, 256], strides = [1, 1]} : vector<8x256xf32> to vector<2x256xf32>
    %dot_general3A_52 = arith.constant dense<0.000000e+00> : vector<2x1024xf32>
    %dot_general3A_53 = tpu.matmul %slice3A_51, %get3A_8, %dot_general3A_52 {dimension_numbers = #tpu.dot_dimension_numbers<[1], [0], [0], [1], [0, 0, 1, 1], [], []>, transpose_lhs_hint = false} : vector<2x256xf32>, vector<256x1024xf32>, vector<2x1024xf32> -> vector<2x1024xf32>
    %slice3A_54 = vector.extract_strided_slice %transpose3A {offsets = [2, 0], sizes = [2, 256], strides = [1, 1]} : vector<8x256xf32> to vector<2x256xf32>
    %dot_general3A_55 = arith.constant dense<0.000000e+00> : vector<2x1024xf32>
    %dot_general3A_56 = tpu.matmul %slice3A_54, %get3A_14, %dot_general3A_55 {dimension_numbers = #tpu.dot_dimension_numbers<[1], [0], [0], [1], [0, 0, 1, 1], [], []>, transpose_lhs_hint = false} : vector<2x256xf32>, vector<256x1024xf32>, vector<2x1024xf32> -> vector<2x1024xf32>
    %slice3A_57 = vector.extract_strided_slice %transpose3A {offsets = [4, 0], sizes = [2, 256], strides = [1, 1]} : vector<8x256xf32> to vector<2x256xf32>
    %dot_general3A_58 = arith.constant dense<0.000000e+00> : vector<2x1024xf32>
    %dot_general3A_59 = tpu.matmul %slice3A_57, %get3A_22, %dot_general3A_58 {dimension_numbers = #tpu.dot_dimension_numbers<[1], [0], [0], [1], [0, 0, 1, 1], [], []>, transpose_lhs_hint = false} : vector<2x256xf32>, vector<256x1024xf32>, vector<2x1024xf32> -> vector<2x1024xf32>
    %slice3A_60 = vector.extract_strided_slice %transpose3A {offsets = [6, 0], sizes = [2, 256], strides = [1, 1]} : vector<8x256xf32> to vector<2x256xf32>
    %dot_general3A_61 = arith.constant dense<0.000000e+00> : vector<2x1024xf32>
    %dot_general3A_62 = tpu.matmul %slice3A_60, %get3A_30, %dot_general3A_61 {dimension_numbers = #tpu.dot_dimension_numbers<[1], [0], [0], [1], [0, 0, 1, 1], [], []>, transpose_lhs_hint = false} : vector<2x256xf32>, vector<256x1024xf32>, vector<2x1024xf32> -> vector<2x1024xf32>
    %get3A_63 = arith.constant 0 : index
    %get3A_64 = arith.constant 0 : index
    %get3A_65 = vector.load %arg6[%get3A_63, %get3A_64] : memref<8x1024xf32, #tpu.memory_space<vmem>>, vector<8x1024xf32>
    %reshape3A = vector.shape_cast %exp3A : vector<1x8xf32> to vector<8x1xf32>
    %mul3A_66 = vector.broadcast %reshape3A : vector<8x1xf32> to vector<8x1024xf32>
    %mul3A_67 = arith.mulf %get3A_65, %mul3A_66 : vector<8x1024xf32>
    %concatenate3A_68 = tpu.concatenate %dot_general3A_53, %dot_general3A_56, %dot_general3A_59, %dot_general3A_62 in 0 : vector<2x1024xf32>, vector<2x1024xf32>, vector<2x1024xf32>, vector<2x1024xf32> -> vector<8x1024xf32>
    %add3A_69 = arith.addf %mul3A_67, %concatenate3A_68 : vector<8x1024xf32>
    %swap3A_70 = arith.constant 0 : index
    %swap3A_71 = arith.constant 0 : index
    %swap3A_72 = vector.load %arg6[%swap3A_70, %swap3A_71] : memref<8x1024xf32, #tpu.memory_space<vmem>>, vector<8x1024xf32>
    tpu.vector_store %arg6[%swap3A_70, %swap3A_71], %add3A_69 {strides = array<i32>} : memref<8x1024xf32, #tpu.memory_space<vmem>>, vector<8x1024xf32>,
    %eq3A_73 = arith.constant 7 : i32
    %eq3A_74 = arith.cmpi eq, %arg0, %eq3A_73 : i32
    %convert_element_type3A_75 = arith.extui %eq3A_74 : i1 to i32
    %cond3A_76 = arith.constant 0 : i32
    %cond3A_77 = arith.cmpi ne, %convert_element_type3A_75, %cond3A_76 : i32
    scf.if %cond3A_77 {
      %get3A_78 = arith.constant 0 : index
      %get3A_79 = arith.constant 0 : index
      %get3A_80 = vector.load %arg6[%get3A_78, %get3A_79] : memref<8x1024xf32, #tpu.memory_space<vmem>>, vector<8x1024xf32>
      %get3A_81 = arith.constant 0 : index
      %get3A_82 = arith.constant 0 : index
      %get3A_83 = vector.load %arg5[%get3A_81, %get3A_82] : memref<1x8xf32, #tpu.memory_space<vmem>>, vector<1x8xf32>
      %reshape3A_84 = vector.shape_cast %get3A_83 : vector<1x8xf32> to vector<8x1xf32>
      %div3A = vector.broadcast %reshape3A_84 : vector<8x1xf32> to vector<8x1024xf32>
      %div3A_85 = arith.divf %get3A_80, %div3A : vector<8x1024xf32>
      %swap3A_86 = arith.constant 0 : index
      %swap3A_87 = arith.constant 0 : index
      %swap3A_88 = vector.load %arg3[%swap3A_86, %swap3A_87] : memref<8x1024xf32, #tpu.memory_space<vmem>>, vector<8x1024xf32>
      tpu.vector_store %arg3[%swap3A_86, %swap3A_87], %div3A_85 {strides = array<i32>} : memref<8x1024xf32, #tpu.memory_space<vmem>>, vector<8x1024xf32>,
    } else {
    }
    return
  }
  func.func @transform_0(%arg0: i32) -> (i32, i32, i32) {
    %c0_i32 = arith.constant 0 : i32
    %c0_i32_0 = arith.constant 0 : i32
    %c0_i32_1 = arith.constant 0 : i32
    return %arg0, %c0_i32, %c0_i32_0 : i32, i32, i32
  }
  func.func @transform_1(%arg0: i32) -> (i32, i32) {
    %c0_i32 = arith.constant 0 : i32
    %c0_i32_0 = arith.constant 0 : i32
    %c0_i32_1 = arith.constant 0 : i32
    return %c0_i32, %c0_i32_0 : i32, i32
  }
  func.func @transform_2(%arg0: i32) -> (i32, i32) {
    %c0_i32 = arith.constant 0 : i32
    %c0_i32_0 = arith.constant 0 : i32
    %c0_i32_1 = arith.constant 0 : i32
    return %c0_i32, %c0_i32_0 : i32, i32
  }
}

module attributes {stable_mosaic.version = 14 : i64} {
  func.func @_prep_kernel(%arg0: memref<4x1024xf32, #tpu.memory_space<vmem>>, %arg1: memref<1024x3072xf32, #tpu.memory_space<vmem>>, %arg2: memref<1x3072xf32, #tpu.memory_space<vmem>>, %arg3: memref<1024x8xf32, #tpu.memory_space<vmem>>) attributes {dimension_semantics = [], scalar_prefetch = 0 : i64, scratch_operands = 0 : i64, tpu.core_type = #tpu.core_type<tc>} {
    %get3A = arith.constant 0 : index
    %get3A_0 = arith.constant 0 : index
    %get3A_1 = vector.load %arg0[%get3A, %get3A_0] : memref<4x1024xf32, #tpu.memory_space<vmem>>, vector<4x1024xf32>
    %get3A_2 = arith.constant 0 : index
    %get3A_3 = arith.constant 0 : index
    %get3A_4 = vector.load %arg1[%get3A_2, %get3A_3] : memref<1024x3072xf32, #tpu.memory_space<vmem>>, vector<1024x1024xf32>
    %dot_general3A = arith.constant dense<0.000000e+00> : vector<4x1024xf32>
    %dot_general3A_5 = tpu.matmul %get3A_1, %get3A_4, %dot_general3A {dimension_numbers = #tpu.dot_dimension_numbers<[1], [0], [0], [1], [0, 0, 1, 1], [], []>, precision = #tpu.contract_precision<fp32>, transpose_lhs_hint = false} : vector<4x1024xf32>, vector<1024x1024xf32>, vector<4x1024xf32> -> vector<4x1024xf32>
    %get3A_6 = arith.constant 0 : index
    %get3A_7 = arith.constant 0 : index
    %get3A_8 = vector.load %arg2[%get3A_6, %get3A_7] : memref<1x3072xf32, #tpu.memory_space<vmem>>, vector<1x1024xf32>
    %add3A = vector.broadcast %get3A_8 : vector<1x1024xf32> to vector<4x1024xf32>
    %add3A_9 = arith.addf %dot_general3A_5, %add3A : vector<4x1024xf32>
    %slice3A = vector.extract_strided_slice %add3A_9 {offsets = [0, 0], sizes = [1, 512], strides = [1, 1]} : vector<4x1024xf32> to vector<1x512xf32>
    %get3A_10 = arith.constant 0 : index
    %get3A_11 = arith.constant 1024 : index
    %get3A_12 = vector.load %arg1[%get3A_10, %get3A_11] : memref<1024x3072xf32, #tpu.memory_space<vmem>>, vector<1024x512xf32>
    %transpose3A = tpu.transpose %slice3A, [1, 0] : vector<1x512xf32> -> vector<512x1xf32>
    %dot_general3A_13 = arith.constant dense<0.000000e+00> : vector<1024x1xf32>
    %dot_general3A_14 = tpu.matmul %get3A_12, %transpose3A, %dot_general3A_13 {dimension_numbers = #tpu.dot_dimension_numbers<[1], [0], [0], [1], [0, 0, 1, 1], [], []>, precision = #tpu.contract_precision<fp32>, transpose_lhs_hint = false} : vector<1024x512xf32>, vector<512x1xf32>, vector<1024x1xf32> -> vector<1024x1xf32>
    %mul3A = arith.constant 0.0441941731 : f32
    %mul3A_15 = vector.broadcast %mul3A : f32 to vector<1024x1xf32>
    %mul3A_16 = arith.mulf %dot_general3A_14, %mul3A_15 : vector<1024x1xf32>
    %slice3A_17 = vector.extract_strided_slice %add3A_9 {offsets = [0, 512], sizes = [1, 512], strides = [1, 1]} : vector<4x1024xf32> to vector<1x512xf32>
    %get3A_18 = arith.constant 0 : index
    %get3A_19 = arith.constant 1536 : index
    %get3A_20 = vector.load %arg1[%get3A_18, %get3A_19] : memref<1024x3072xf32, #tpu.memory_space<vmem>>, vector<1024x512xf32>
    %transpose3A_21 = tpu.transpose %slice3A_17, [1, 0] : vector<1x512xf32> -> vector<512x1xf32>
    %dot_general3A_22 = arith.constant dense<0.000000e+00> : vector<1024x1xf32>
    %dot_general3A_23 = tpu.matmul %get3A_20, %transpose3A_21, %dot_general3A_22 {dimension_numbers = #tpu.dot_dimension_numbers<[1], [0], [0], [1], [0, 0, 1, 1], [], []>, precision = #tpu.contract_precision<fp32>, transpose_lhs_hint = false} : vector<1024x512xf32>, vector<512x1xf32>, vector<1024x1xf32> -> vector<1024x1xf32>
    %mul3A_24 = arith.constant 0.0441941731 : f32
    %mul3A_25 = vector.broadcast %mul3A_24 : f32 to vector<1024x1xf32>
    %mul3A_26 = arith.mulf %dot_general3A_23, %mul3A_25 : vector<1024x1xf32>
    %slice3A_27 = vector.extract_strided_slice %add3A_9 {offsets = [1, 0], sizes = [1, 512], strides = [1, 1]} : vector<4x1024xf32> to vector<1x512xf32>
    %get3A_28 = arith.constant 0 : index
    %get3A_29 = arith.constant 1024 : index
    %get3A_30 = vector.load %arg1[%get3A_28, %get3A_29] : memref<1024x3072xf32, #tpu.memory_space<vmem>>, vector<1024x512xf32>
    %transpose3A_31 = tpu.transpose %slice3A_27, [1, 0] : vector<1x512xf32> -> vector<512x1xf32>
    %dot_general3A_32 = arith.constant dense<0.000000e+00> : vector<1024x1xf32>
    %dot_general3A_33 = tpu.matmul %get3A_30, %transpose3A_31, %dot_general3A_32 {dimension_numbers = #tpu.dot_dimension_numbers<[1], [0], [0], [1], [0, 0, 1, 1], [], []>, precision = #tpu.contract_precision<fp32>, transpose_lhs_hint = false} : vector<1024x512xf32>, vector<512x1xf32>, vector<1024x1xf32> -> vector<1024x1xf32>
    %mul3A_34 = arith.constant 0.0441941731 : f32
    %mul3A_35 = vector.broadcast %mul3A_34 : f32 to vector<1024x1xf32>
    %mul3A_36 = arith.mulf %dot_general3A_33, %mul3A_35 : vector<1024x1xf32>
    %slice3A_37 = vector.extract_strided_slice %add3A_9 {offsets = [1, 512], sizes = [1, 512], strides = [1, 1]} : vector<4x1024xf32> to vector<1x512xf32>
    %get3A_38 = arith.constant 0 : index
    %get3A_39 = arith.constant 1536 : index
    %get3A_40 = vector.load %arg1[%get3A_38, %get3A_39] : memref<1024x3072xf32, #tpu.memory_space<vmem>>, vector<1024x512xf32>
    %transpose3A_41 = tpu.transpose %slice3A_37, [1, 0] : vector<1x512xf32> -> vector<512x1xf32>
    %dot_general3A_42 = arith.constant dense<0.000000e+00> : vector<1024x1xf32>
    %dot_general3A_43 = tpu.matmul %get3A_40, %transpose3A_41, %dot_general3A_42 {dimension_numbers = #tpu.dot_dimension_numbers<[1], [0], [0], [1], [0, 0, 1, 1], [], []>, precision = #tpu.contract_precision<fp32>, transpose_lhs_hint = false} : vector<1024x512xf32>, vector<512x1xf32>, vector<1024x1xf32> -> vector<1024x1xf32>
    %mul3A_44 = arith.constant 0.0441941731 : f32
    %mul3A_45 = vector.broadcast %mul3A_44 : f32 to vector<1024x1xf32>
    %mul3A_46 = arith.mulf %dot_general3A_43, %mul3A_45 : vector<1024x1xf32>
    %slice3A_47 = vector.extract_strided_slice %add3A_9 {offsets = [2, 0], sizes = [1, 512], strides = [1, 1]} : vector<4x1024xf32> to vector<1x512xf32>
    %get3A_48 = arith.constant 0 : index
    %get3A_49 = arith.constant 1024 : index
    %get3A_50 = vector.load %arg1[%get3A_48, %get3A_49] : memref<1024x3072xf32, #tpu.memory_space<vmem>>, vector<1024x512xf32>
    %transpose3A_51 = tpu.transpose %slice3A_47, [1, 0] : vector<1x512xf32> -> vector<512x1xf32>
    %dot_general3A_52 = arith.constant dense<0.000000e+00> : vector<1024x1xf32>
    %dot_general3A_53 = tpu.matmul %get3A_50, %transpose3A_51, %dot_general3A_52 {dimension_numbers = #tpu.dot_dimension_numbers<[1], [0], [0], [1], [0, 0, 1, 1], [], []>, precision = #tpu.contract_precision<fp32>, transpose_lhs_hint = false} : vector<1024x512xf32>, vector<512x1xf32>, vector<1024x1xf32> -> vector<1024x1xf32>
    %mul3A_54 = arith.constant 0.0441941731 : f32
    %mul3A_55 = vector.broadcast %mul3A_54 : f32 to vector<1024x1xf32>
    %mul3A_56 = arith.mulf %dot_general3A_53, %mul3A_55 : vector<1024x1xf32>
    %slice3A_57 = vector.extract_strided_slice %add3A_9 {offsets = [2, 512], sizes = [1, 512], strides = [1, 1]} : vector<4x1024xf32> to vector<1x512xf32>
    %get3A_58 = arith.constant 0 : index
    %get3A_59 = arith.constant 1536 : index
    %get3A_60 = vector.load %arg1[%get3A_58, %get3A_59] : memref<1024x3072xf32, #tpu.memory_space<vmem>>, vector<1024x512xf32>
    %transpose3A_61 = tpu.transpose %slice3A_57, [1, 0] : vector<1x512xf32> -> vector<512x1xf32>
    %dot_general3A_62 = arith.constant dense<0.000000e+00> : vector<1024x1xf32>
    %dot_general3A_63 = tpu.matmul %get3A_60, %transpose3A_61, %dot_general3A_62 {dimension_numbers = #tpu.dot_dimension_numbers<[1], [0], [0], [1], [0, 0, 1, 1], [], []>, precision = #tpu.contract_precision<fp32>, transpose_lhs_hint = false} : vector<1024x512xf32>, vector<512x1xf32>, vector<1024x1xf32> -> vector<1024x1xf32>
    %mul3A_64 = arith.constant 0.0441941731 : f32
    %mul3A_65 = vector.broadcast %mul3A_64 : f32 to vector<1024x1xf32>
    %mul3A_66 = arith.mulf %dot_general3A_63, %mul3A_65 : vector<1024x1xf32>
    %slice3A_67 = vector.extract_strided_slice %add3A_9 {offsets = [3, 0], sizes = [1, 512], strides = [1, 1]} : vector<4x1024xf32> to vector<1x512xf32>
    %get3A_68 = arith.constant 0 : index
    %get3A_69 = arith.constant 1024 : index
    %get3A_70 = vector.load %arg1[%get3A_68, %get3A_69] : memref<1024x3072xf32, #tpu.memory_space<vmem>>, vector<1024x512xf32>
    %transpose3A_71 = tpu.transpose %slice3A_67, [1, 0] : vector<1x512xf32> -> vector<512x1xf32>
    %dot_general3A_72 = arith.constant dense<0.000000e+00> : vector<1024x1xf32>
    %dot_general3A_73 = tpu.matmul %get3A_70, %transpose3A_71, %dot_general3A_72 {dimension_numbers = #tpu.dot_dimension_numbers<[1], [0], [0], [1], [0, 0, 1, 1], [], []>, precision = #tpu.contract_precision<fp32>, transpose_lhs_hint = false} : vector<1024x512xf32>, vector<512x1xf32>, vector<1024x1xf32> -> vector<1024x1xf32>
    %mul3A_74 = arith.constant 0.0441941731 : f32
    %mul3A_75 = vector.broadcast %mul3A_74 : f32 to vector<1024x1xf32>
    %mul3A_76 = arith.mulf %dot_general3A_73, %mul3A_75 : vector<1024x1xf32>
    %slice3A_77 = vector.extract_strided_slice %add3A_9 {offsets = [3, 512], sizes = [1, 512], strides = [1, 1]} : vector<4x1024xf32> to vector<1x512xf32>
    %get3A_78 = arith.constant 0 : index
    %get3A_79 = arith.constant 1536 : index
    %get3A_80 = vector.load %arg1[%get3A_78, %get3A_79] : memref<1024x3072xf32, #tpu.memory_space<vmem>>, vector<1024x512xf32>
    %transpose3A_81 = tpu.transpose %slice3A_77, [1, 0] : vector<1x512xf32> -> vector<512x1xf32>
    %dot_general3A_82 = arith.constant dense<0.000000e+00> : vector<1024x1xf32>
    %dot_general3A_83 = tpu.matmul %get3A_80, %transpose3A_81, %dot_general3A_82 {dimension_numbers = #tpu.dot_dimension_numbers<[1], [0], [0], [1], [0, 0, 1, 1], [], []>, precision = #tpu.contract_precision<fp32>, transpose_lhs_hint = false} : vector<1024x512xf32>, vector<512x1xf32>, vector<1024x1xf32> -> vector<1024x1xf32>
    %mul3A_84 = arith.constant 0.0441941731 : f32
    %mul3A_85 = vector.broadcast %mul3A_84 : f32 to vector<1024x1xf32>
    %mul3A_86 = arith.mulf %dot_general3A_83, %mul3A_85 : vector<1024x1xf32>
    %concatenate3A = tpu.concatenate %mul3A_16, %mul3A_26, %mul3A_36, %mul3A_46, %mul3A_56, %mul3A_66, %mul3A_76, %mul3A_86 in 1 : vector<1024x1xf32>, vector<1024x1xf32>, vector<1024x1xf32>, vector<1024x1xf32>, vector<1024x1xf32>, vector<1024x1xf32>, vector<1024x1xf32>, vector<1024x1xf32> -> vector<1024x8xf32>
    %swap3A = arith.constant 0 : index
    %swap3A_87 = arith.constant 0 : index
    %swap3A_88 = vector.load %arg3[%swap3A, %swap3A_87] : memref<1024x8xf32, #tpu.memory_space<vmem>>, vector<1024x8xf32>
    tpu.vector_store %arg3[%swap3A, %swap3A_87], %concatenate3A {strides = array<i32>} : memref<1024x8xf32, #tpu.memory_space<vmem>>, vector<1024x8xf32>,
    return
  }
}

module attributes {stable_mosaic.version = 14 : i64} {
  func.func @_post_kernel(%arg0: memref<8x1024xf32, #tpu.memory_space<vmem>>, %arg1: memref<4x1024xf32, #tpu.memory_space<vmem>>, %arg2: memref<1024x1024xf32, #tpu.memory_space<vmem>>, %arg3: memref<1x1024xf32, #tpu.memory_space<vmem>>, %arg4: memref<1024x1024xf32, #tpu.memory_space<vmem>>, %arg5: memref<1x1024xf32, #tpu.memory_space<vmem>>, %arg6: memref<1x1024xf32, #tpu.memory_space<vmem>>, %arg7: memref<1x1024xf32, #tpu.memory_space<vmem>>, %arg8: memref<1024x1024xf32, #tpu.memory_space<vmem>>, %arg9: memref<1x1024xf32, #tpu.memory_space<vmem>>, %arg10: memref<1024x1024xf32, #tpu.memory_space<vmem>>, %arg11: memref<1x1024xf32, #tpu.memory_space<vmem>>, %arg12: memref<1x1024xf32, #tpu.memory_space<vmem>>, %arg13: memref<1x1024xf32, #tpu.memory_space<vmem>>, %arg14: memref<1024x168xf32, #tpu.memory_space<vmem>>, %arg15: memref<1x168xf32, #tpu.memory_space<vmem>>, %arg16: memref<64x96xf32, #tpu.memory_space<vmem>>, %arg17: memref<1x96xf32, #tpu.memory_space<vmem>>, %arg18: memref<32x96xf32, #tpu.memory_space<vmem>>, %arg19: memref<1x96xf32, #tpu.memory_space<vmem>>, %arg20: memref<64x192xf32, #tpu.memory_space<vmem>>, %arg21: memref<1x192xf32, #tpu.memory_space<vmem>>, %arg22: memref<768x16xf32, #tpu.memory_space<vmem>>) attributes {dimension_semantics = [], scalar_prefetch = 0 : i64, scratch_operands = 0 : i64, tpu.core_type = #tpu.core_type<tc>} {
    %get3A = arith.constant 0 : index
    %get3A_0 = arith.constant 0 : index
    %get3A_1 = vector.load %arg0[%get3A, %get3A_0] : memref<8x1024xf32, #tpu.memory_space<vmem>>, vector<8x1024xf32>
    %slice3A = vector.extract_strided_slice %get3A_1 {offsets = [0, 0], sizes = [1, 1024], strides = [1, 1]} : vector<8x1024xf32> to vector<1x1024xf32>
    %slice3A_2 = vector.extract_strided_slice %get3A_1 {offsets = [2, 0], sizes = [1, 1024], strides = [1, 1]} : vector<8x1024xf32> to vector<1x1024xf32>
    %slice3A_3 = vector.extract_strided_slice %get3A_1 {offsets = [4, 0], sizes = [1, 1024], strides = [1, 1]} : vector<8x1024xf32> to vector<1x1024xf32>
    %slice3A_4 = vector.extract_strided_slice %get3A_1 {offsets = [6, 0], sizes = [1, 1024], strides = [1, 1]} : vector<8x1024xf32> to vector<1x1024xf32>
    %concatenate3A = tpu.concatenate %slice3A, %slice3A_2, %slice3A_3, %slice3A_4 in 0 : vector<1x1024xf32>, vector<1x1024xf32>, vector<1x1024xf32>, vector<1x1024xf32> -> vector<4x1024xf32>
    %get3A_5 = arith.constant 0 : index
    %get3A_6 = arith.constant 0 : index
    %get3A_7 = vector.load %arg2[%get3A_5, %get3A_6] : memref<1024x1024xf32, #tpu.memory_space<vmem>>, vector<1024x512xf32>
    %dot_general3A = arith.constant dense<0.000000e+00> : vector<4x512xf32>
    %dot_general3A_8 = tpu.matmul %concatenate3A, %get3A_7, %dot_general3A {dimension_numbers = #tpu.dot_dimension_numbers<[1], [0], [0], [1], [0, 0, 1, 1], [], []>, precision = #tpu.contract_precision<fp32>, transpose_lhs_hint = false} : vector<4x1024xf32>, vector<1024x512xf32>, vector<4x512xf32> -> vector<4x512xf32>
    %slice3A_9 = vector.extract_strided_slice %get3A_1 {offsets = [1, 0], sizes = [1, 1024], strides = [1, 1]} : vector<8x1024xf32> to vector<1x1024xf32>
    %slice3A_10 = vector.extract_strided_slice %get3A_1 {offsets = [3, 0], sizes = [1, 1024], strides = [1, 1]} : vector<8x1024xf32> to vector<1x1024xf32>
    %slice3A_11 = vector.extract_strided_slice %get3A_1 {offsets = [5, 0], sizes = [1, 1024], strides = [1, 1]} : vector<8x1024xf32> to vector<1x1024xf32>
    %slice3A_12 = vector.extract_strided_slice %get3A_1 {offsets = [7, 0], sizes = [1, 1024], strides = [1, 1]} : vector<8x1024xf32> to vector<1x1024xf32>
    %concatenate3A_13 = tpu.concatenate %slice3A_9, %slice3A_10, %slice3A_11, %slice3A_12 in 0 : vector<1x1024xf32>, vector<1x1024xf32>, vector<1x1024xf32>, vector<1x1024xf32> -> vector<4x1024xf32>
    %get3A_14 = arith.constant 0 : index
    %get3A_15 = arith.constant 512 : index
    %get3A_16 = vector.load %arg2[%get3A_14, %get3A_15] : memref<1024x1024xf32, #tpu.memory_space<vmem>>, vector<1024x512xf32>
    %dot_general3A_17 = arith.constant dense<0.000000e+00> : vector<4x512xf32>
    %dot_general3A_18 = tpu.matmul %concatenate3A_13, %get3A_16, %dot_general3A_17 {dimension_numbers = #tpu.dot_dimension_numbers<[1], [0], [0], [1], [0, 0, 1, 1], [], []>, precision = #tpu.contract_precision<fp32>, transpose_lhs_hint = false} : vector<4x1024xf32>, vector<1024x512xf32>, vector<4x512xf32> -> vector<4x512xf32>
    %concatenate3A_19 = tpu.concatenate %dot_general3A_8, %dot_general3A_18 in 1 : vector<4x512xf32>, vector<4x512xf32> -> vector<4x1024xf32>
    %get3A_20 = arith.constant 0 : index
    %get3A_21 = arith.constant 0 : index
    %get3A_22 = vector.load %arg3[%get3A_20, %get3A_21] : memref<1x1024xf32, #tpu.memory_space<vmem>>, vector<1x1024xf32>
    %add3A = vector.broadcast %get3A_22 : vector<1x1024xf32> to vector<4x1024xf32>
    %add3A_23 = arith.addf %concatenate3A_19, %add3A : vector<4x1024xf32>
    %get3A_24 = arith.constant 0 : index
    %get3A_25 = arith.constant 0 : index
    %get3A_26 = vector.load %arg1[%get3A_24, %get3A_25] : memref<4x1024xf32, #tpu.memory_space<vmem>>, vector<4x1024xf32>
    %get3A_27 = arith.constant 0 : index
    %get3A_28 = arith.constant 0 : index
    %get3A_29 = vector.load %arg4[%get3A_27, %get3A_28] : memref<1024x1024xf32, #tpu.memory_space<vmem>>, vector<1024x1024xf32>
    %dot_general3A_30 = arith.constant dense<0.000000e+00> : vector<4x1024xf32>
    %dot_general3A_31 = tpu.matmul %add3A_23, %get3A_29, %dot_general3A_30 {dimension_numbers = #tpu.dot_dimension_numbers<[1], [0], [0], [1], [0, 0, 1, 1], [], []>, precision = #tpu.contract_precision<fp32>, transpose_lhs_hint = false} : vector<4x1024xf32>, vector<1024x1024xf32>, vector<4x1024xf32> -> vector<4x1024xf32>
    %add3A_32 = arith.addf %get3A_26, %dot_general3A_31 : vector<4x1024xf32>
    %get3A_33 = arith.constant 0 : index
    %get3A_34 = arith.constant 0 : index
    %get3A_35 = vector.load %arg5[%get3A_33, %get3A_34] : memref<1x1024xf32, #tpu.memory_space<vmem>>, vector<1x1024xf32>
    %add3A_36 = vector.broadcast %get3A_35 : vector<1x1024xf32> to vector<4x1024xf32>
    %add3A_37 = arith.addf %add3A_32, %add3A_36 : vector<4x1024xf32>
    %get3A_38 = arith.constant 0 : index
    %get3A_39 = arith.constant 0 : index
    %get3A_40 = vector.load %arg6[%get3A_38, %get3A_39] : memref<1x1024xf32, #tpu.memory_space<vmem>>, vector<1x1024xf32>
    %get3A_41 = arith.constant 0 : index
    %get3A_42 = arith.constant 0 : index
    %get3A_43 = vector.load %arg7[%get3A_41, %get3A_42] : memref<1x1024xf32, #tpu.memory_space<vmem>>, vector<1x1024xf32>
    %reduce_sum3A = arith.constant dense<0.000000e+00> : vector<4xf32>
    %reduce_sum3A_44 = vector.multi_reduction <add>, %add3A_37, %reduce_sum3A [1] : vector<4x1024xf32> to vector<4xf32>
    %broadcast_in_dim3A = vector.shape_cast %reduce_sum3A_44 : vector<4xf32> to vector<4x1xf32>
    %div3A = arith.constant 1.024000e+03 : f32
    %div3A_45 = vector.broadcast %div3A : f32 to vector<4x1xf32>
    %div3A_46 = arith.divf %broadcast_in_dim3A, %div3A_45 : vector<4x1xf32>
    %sub3A = vector.broadcast %div3A_46 : vector<4x1xf32> to vector<4x1024xf32>
    %sub3A_47 = arith.subf %add3A_37, %sub3A : vector<4x1024xf32>
    %integer_pow3A = arith.mulf %sub3A_47, %sub3A_47 : vector<4x1024xf32>
    %reduce_sum3A_48 = arith.constant dense<0.000000e+00> : vector<4xf32>
    %reduce_sum3A_49 = vector.multi_reduction <add>, %integer_pow3A, %reduce_sum3A_48 [1] : vector<4x1024xf32> to vector<4xf32>
    %broadcast_in_dim3A_50 = vector.shape_cast %reduce_sum3A_49 : vector<4xf32> to vector<4x1xf32>
    %div3A_51 = arith.constant 1.024000e+03 : f32
    %div3A_52 = vector.broadcast %div3A_51 : f32 to vector<4x1xf32>
    %div3A_53 = arith.divf %broadcast_in_dim3A_50, %div3A_52 : vector<4x1xf32>
    %sub3A_54 = vector.broadcast %div3A_46 : vector<4x1xf32> to vector<4x1024xf32>
    %sub3A_55 = arith.subf %add3A_37, %sub3A_54 : vector<4x1024xf32>
    %add3A_56 = arith.constant 9.99999974E-6 : f32
    %add3A_57 = vector.broadcast %add3A_56 : f32 to vector<4x1xf32>
    %add3A_58 = arith.addf %div3A_53, %add3A_57 : vector<4x1xf32>
    %sqrt3A = math.sqrt %add3A_58 : vector<4x1xf32>
    %div3A_59 = vector.broadcast %sqrt3A : vector<4x1xf32> to vector<4x1024xf32>
    %div3A_60 = arith.divf %sub3A_55, %div3A_59 : vector<4x1024xf32>
    %mul3A = vector.broadcast %get3A_40 : vector<1x1024xf32> to vector<4x1024xf32>
    %mul3A_61 = arith.mulf %div3A_60, %mul3A : vector<4x1024xf32>
    %add3A_62 = vector.broadcast %get3A_43 : vector<1x1024xf32> to vector<4x1024xf32>
    %add3A_63 = arith.addf %mul3A_61, %add3A_62 : vector<4x1024xf32>
    %get3A_64 = arith.constant 0 : index
    %get3A_65 = arith.constant 0 : index
    %get3A_66 = vector.load %arg8[%get3A_64, %get3A_65] : memref<1024x1024xf32, #tpu.memory_space<vmem>>, vector<1024x1024xf32>
    %dot_general3A_67 = arith.constant dense<0.000000e+00> : vector<4x1024xf32>
    %dot_general3A_68 = tpu.matmul %add3A_63, %get3A_66, %dot_general3A_67 {dimension_numbers = #tpu.dot_dimension_numbers<[1], [0], [0], [1], [0, 0, 1, 1], [], []>, precision = #tpu.contract_precision<fp32>, transpose_lhs_hint = false} : vector<4x1024xf32>, vector<1024x1024xf32>, vector<4x1024xf32> -> vector<4x1024xf32>
    %get3A_69 = arith.constant 0 : index
    %get3A_70 = arith.constant 0 : index
    %get3A_71 = vector.load %arg9[%get3A_69, %get3A_70] : memref<1x1024xf32, #tpu.memory_space<vmem>>, vector<1x1024xf32>
    %add3A_72 = vector.broadcast %get3A_71 : vector<1x1024xf32> to vector<4x1024xf32>
    %add3A_73 = arith.addf %dot_general3A_68, %add3A_72 : vector<4x1024xf32>
    %max3A = arith.constant 0.000000e+00 : f32
    %max3A_74 = vector.broadcast %max3A : f32 to vector<4x1024xf32>
    %max3A_75 = arith.maximumf %add3A_73, %max3A_74 : vector<4x1024xf32>
    %get3A_76 = arith.constant 0 : index
    %get3A_77 = arith.constant 0 : index
    %get3A_78 = vector.load %arg10[%get3A_76, %get3A_77] : memref<1024x1024xf32, #tpu.memory_space<vmem>>, vector<1024x1024xf32>
    %dot_general3A_79 = arith.constant dense<0.000000e+00> : vector<4x1024xf32>
    %dot_general3A_80 = tpu.matmul %max3A_75, %get3A_78, %dot_general3A_79 {dimension_numbers = #tpu.dot_dimension_numbers<[1], [0], [0], [1], [0, 0, 1, 1], [], []>, precision = #tpu.contract_precision<fp32>, transpose_lhs_hint = false} : vector<4x1024xf32>, vector<1024x1024xf32>, vector<4x1024xf32> -> vector<4x1024xf32>
    %get3A_81 = arith.constant 0 : index
    %get3A_82 = arith.constant 0 : index
    %get3A_83 = vector.load %arg11[%get3A_81, %get3A_82] : memref<1x1024xf32, #tpu.memory_space<vmem>>, vector<1x1024xf32>
    %add3A_84 = vector.broadcast %get3A_83 : vector<1x1024xf32> to vector<4x1024xf32>
    %add3A_85 = arith.addf %dot_general3A_80, %add3A_84 : vector<4x1024xf32>
    %add3A_86 = arith.addf %add3A_63, %add3A_85 : vector<4x1024xf32>
    %get3A_87 = arith.constant 0 : index
    %get3A_88 = arith.constant 0 : index
    %get3A_89 = vector.load %arg12[%get3A_87, %get3A_88] : memref<1x1024xf32, #tpu.memory_space<vmem>>, vector<1x1024xf32>
    %get3A_90 = arith.constant 0 : index
    %get3A_91 = arith.constant 0 : index
    %get3A_92 = vector.load %arg13[%get3A_90, %get3A_91] : memref<1x1024xf32, #tpu.memory_space<vmem>>, vector<1x1024xf32>
    %reduce_sum3A_93 = arith.constant dense<0.000000e+00> : vector<4xf32>
    %reduce_sum3A_94 = vector.multi_reduction <add>, %add3A_86, %reduce_sum3A_93 [1] : vector<4x1024xf32> to vector<4xf32>
    %broadcast_in_dim3A_95 = vector.shape_cast %reduce_sum3A_94 : vector<4xf32> to vector<4x1xf32>
    %div3A_96 = arith.constant 1.024000e+03 : f32
    %div3A_97 = vector.broadcast %div3A_96 : f32 to vector<4x1xf32>
    %div3A_98 = arith.divf %broadcast_in_dim3A_95, %div3A_97 : vector<4x1xf32>
    %sub3A_99 = vector.broadcast %div3A_98 : vector<4x1xf32> to vector<4x1024xf32>
    %sub3A_100 = arith.subf %add3A_86, %sub3A_99 : vector<4x1024xf32>
    %integer_pow3A_101 = arith.mulf %sub3A_100, %sub3A_100 : vector<4x1024xf32>
    %reduce_sum3A_102 = arith.constant dense<0.000000e+00> : vector<4xf32>
    %reduce_sum3A_103 = vector.multi_reduction <add>, %integer_pow3A_101, %reduce_sum3A_102 [1] : vector<4x1024xf32> to vector<4xf32>
    %broadcast_in_dim3A_104 = vector.shape_cast %reduce_sum3A_103 : vector<4xf32> to vector<4x1xf32>
    %div3A_105 = arith.constant 1.024000e+03 : f32
    %div3A_106 = vector.broadcast %div3A_105 : f32 to vector<4x1xf32>
    %div3A_107 = arith.divf %broadcast_in_dim3A_104, %div3A_106 : vector<4x1xf32>
    %sub3A_108 = vector.broadcast %div3A_98 : vector<4x1xf32> to vector<4x1024xf32>
    %sub3A_109 = arith.subf %add3A_86, %sub3A_108 : vector<4x1024xf32>
    %add3A_110 = arith.constant 9.99999974E-6 : f32
    %add3A_111 = vector.broadcast %add3A_110 : f32 to vector<4x1xf32>
    %add3A_112 = arith.addf %div3A_107, %add3A_111 : vector<4x1xf32>
    %sqrt3A_113 = math.sqrt %add3A_112 : vector<4x1xf32>
    %div3A_114 = vector.broadcast %sqrt3A_113 : vector<4x1xf32> to vector<4x1024xf32>
    %div3A_115 = arith.divf %sub3A_109, %div3A_114 : vector<4x1024xf32>
    %mul3A_116 = vector.broadcast %get3A_89 : vector<1x1024xf32> to vector<4x1024xf32>
    %mul3A_117 = arith.mulf %div3A_115, %mul3A_116 : vector<4x1024xf32>
    %add3A_118 = vector.broadcast %get3A_92 : vector<1x1024xf32> to vector<4x1024xf32>
    %add3A_119 = arith.addf %mul3A_117, %add3A_118 : vector<4x1024xf32>
    %get3A_120 = arith.constant 0 : index
    %get3A_121 = arith.constant 0 : index
    %get3A_122 = vector.load %arg14[%get3A_120, %get3A_121] : memref<1024x168xf32, #tpu.memory_space<vmem>>, vector<1024x168xf32>
    %dot_general3A_123 = arith.constant dense<0.000000e+00> : vector<4x168xf32>
    %dot_general3A_124 = tpu.matmul %add3A_119, %get3A_122, %dot_general3A_123 {dimension_numbers = #tpu.dot_dimension_numbers<[1], [0], [0], [1], [0, 0, 1, 1], [], []>, precision = #tpu.contract_precision<fp32>, transpose_lhs_hint = false} : vector<4x1024xf32>, vector<1024x168xf32>, vector<4x168xf32> -> vector<4x168xf32>
    %get3A_125 = arith.constant 0 : index
    %get3A_126 = arith.constant 0 : index
    %get3A_127 = vector.load %arg15[%get3A_125, %get3A_126] : memref<1x168xf32, #tpu.memory_space<vmem>>, vector<1x168xf32>
    %add3A_128 = vector.broadcast %get3A_127 : vector<1x168xf32> to vector<4x168xf32>
    %add3A_129 = arith.addf %dot_general3A_124, %add3A_128 : vector<4x168xf32>
    %slice3A_130 = vector.extract_strided_slice %add3A_129 {offsets = [0, 0], sizes = [4, 64], strides = [1, 1]} : vector<4x168xf32> to vector<4x64xf32>
    %slice3A_131 = vector.extract_strided_slice %add3A_129 {offsets = [0, 64], sizes = [4, 32], strides = [1, 1]} : vector<4x168xf32> to vector<4x32xf32>
    %get3A_132 = arith.constant 0 : index
    %get3A_133 = arith.constant 0 : index
    %get3A_134 = vector.load %arg16[%get3A_132, %get3A_133] : memref<64x96xf32, #tpu.memory_space<vmem>>, vector<64x96xf32>
    %dot_general3A_135 = arith.constant dense<0.000000e+00> : vector<4x96xf32>
    %dot_general3A_136 = tpu.matmul %slice3A_130, %get3A_134, %dot_general3A_135 {dimension_numbers = #tpu.dot_dimension_numbers<[1], [0], [0], [1], [0, 0, 1, 1], [], []>, precision = #tpu.contract_precision<fp32>, transpose_lhs_hint = false} : vector<4x64xf32>, vector<64x96xf32>, vector<4x96xf32> -> vector<4x96xf32>
    %get3A_137 = arith.constant 0 : index
    %get3A_138 = arith.constant 0 : index
    %get3A_139 = vector.load %arg17[%get3A_137, %get3A_138] : memref<1x96xf32, #tpu.memory_space<vmem>>, vector<1x96xf32>
    %add3A_140 = vector.broadcast %get3A_139 : vector<1x96xf32> to vector<4x96xf32>
    %add3A_141 = arith.addf %dot_general3A_136, %add3A_140 : vector<4x96xf32>
    %get3A_142 = arith.constant 0 : index
    %get3A_143 = arith.constant 0 : index
    %get3A_144 = vector.load %arg18[%get3A_142, %get3A_143] : memref<32x96xf32, #tpu.memory_space<vmem>>, vector<32x96xf32>
    %dot_general3A_145 = arith.constant dense<0.000000e+00> : vector<4x96xf32>
    %dot_general3A_146 = tpu.matmul %slice3A_131, %get3A_144, %dot_general3A_145 {dimension_numbers = #tpu.dot_dimension_numbers<[1], [0], [0], [1], [0, 0, 1, 1], [], []>, precision = #tpu.contract_precision<fp32>, transpose_lhs_hint = false} : vector<4x32xf32>, vector<32x96xf32>, vector<4x96xf32> -> vector<4x96xf32>
    %get3A_147 = arith.constant 0 : index
    %get3A_148 = arith.constant 0 : index
    %get3A_149 = vector.load %arg19[%get3A_147, %get3A_148] : memref<1x96xf32, #tpu.memory_space<vmem>>, vector<1x96xf32>
    %add3A_150 = vector.broadcast %get3A_149 : vector<1x96xf32> to vector<4x96xf32>
    %add3A_151 = arith.addf %dot_general3A_146, %add3A_150 : vector<4x96xf32>
    %get3A_152 = arith.constant 0 : index
    %get3A_153 = arith.constant 0 : index
    %get3A_154 = vector.load %arg20[%get3A_152, %get3A_153] : memref<64x192xf32, #tpu.memory_space<vmem>>, vector<64x192xf32>
    %dot_general3A_155 = arith.constant dense<0.000000e+00> : vector<4x192xf32>
    %dot_general3A_156 = tpu.matmul %slice3A_130, %get3A_154, %dot_general3A_155 {dimension_numbers = #tpu.dot_dimension_numbers<[1], [0], [0], [1], [0, 0, 1, 1], [], []>, precision = #tpu.contract_precision<fp32>, transpose_lhs_hint = false} : vector<4x64xf32>, vector<64x192xf32>, vector<4x192xf32> -> vector<4x192xf32>
    %get3A_157 = arith.constant 0 : index
    %get3A_158 = arith.constant 0 : index
    %get3A_159 = vector.load %arg21[%get3A_157, %get3A_158] : memref<1x192xf32, #tpu.memory_space<vmem>>, vector<1x192xf32>
    %add3A_160 = vector.broadcast %get3A_159 : vector<1x192xf32> to vector<4x192xf32>
    %add3A_161 = arith.addf %dot_general3A_156, %add3A_160 : vector<4x192xf32>
    %slice3A_162 = vector.extract_strided_slice %add3A_141 {offsets = [0, 0], sizes = [4, 8], strides = [1, 1]} : vector<4x96xf32> to vector<4x8xf32>
    %slice3A_163 = vector.extract_strided_slice %add3A_141 {offsets = [0, 8], sizes = [4, 8], strides = [1, 1]} : vector<4x96xf32> to vector<4x8xf32>
    %slice3A_164 = vector.extract_strided_slice %add3A_141 {offsets = [0, 16], sizes = [4, 8], strides = [1, 1]} : vector<4x96xf32> to vector<4x8xf32>
    %slice3A_165 = vector.extract_strided_slice %add3A_141 {offsets = [0, 24], sizes = [4, 8], strides = [1, 1]} : vector<4x96xf32> to vector<4x8xf32>
    %slice3A_166 = vector.extract_strided_slice %add3A_141 {offsets = [0, 32], sizes = [4, 8], strides = [1, 1]} : vector<4x96xf32> to vector<4x8xf32>
    %slice3A_167 = vector.extract_strided_slice %add3A_141 {offsets = [0, 40], sizes = [4, 8], strides = [1, 1]} : vector<4x96xf32> to vector<4x8xf32>
    %slice3A_168 = vector.extract_strided_slice %add3A_141 {offsets = [0, 48], sizes = [4, 8], strides = [1, 1]} : vector<4x96xf32> to vector<4x8xf32>
    %slice3A_169 = vector.extract_strided_slice %add3A_141 {offsets = [0, 56], sizes = [4, 8], strides = [1, 1]} : vector<4x96xf32> to vector<4x8xf32>
    %slice3A_170 = vector.extract_strided_slice %add3A_141 {offsets = [0, 64], sizes = [4, 8], strides = [1, 1]} : vector<4x96xf32> to vector<4x8xf32>
    %slice3A_171 = vector.extract_strided_slice %add3A_141 {offsets = [0, 72], sizes = [4, 8], strides = [1, 1]} : vector<4x96xf32> to vector<4x8xf32>
    %slice3A_172 = vector.extract_strided_slice %add3A_141 {offsets = [0, 80], sizes = [4, 8], strides = [1, 1]} : vector<4x96xf32> to vector<4x8xf32>
    %slice3A_173 = vector.extract_strided_slice %add3A_141 {offsets = [0, 88], sizes = [4, 8], strides = [1, 1]} : vector<4x96xf32> to vector<4x8xf32>
    %concatenate3A_174 = tpu.concatenate %slice3A_162, %slice3A_163, %slice3A_164, %slice3A_165, %slice3A_166, %slice3A_167, %slice3A_168, %slice3A_169, %slice3A_170, %slice3A_171, %slice3A_172, %slice3A_173 in 0 : vector<4x8xf32>, vector<4x8xf32>, vector<4x8xf32>, vector<4x8xf32>, vector<4x8xf32>, vector<4x8xf32>, vector<4x8xf32>, vector<4x8xf32>, vector<4x8xf32>, vector<4x8xf32>, vector<4x8xf32>, vector<4x8xf32> -> vector<48x8xf32>
    %slice3A_175 = vector.extract_strided_slice %add3A_151 {offsets = [0, 0], sizes = [4, 8], strides = [1, 1]} : vector<4x96xf32> to vector<4x8xf32>
    %slice3A_176 = vector.extract_strided_slice %add3A_151 {offsets = [0, 8], sizes = [4, 8], strides = [1, 1]} : vector<4x96xf32> to vector<4x8xf32>
    %slice3A_177 = vector.extract_strided_slice %add3A_151 {offsets = [0, 16], sizes = [4, 8], strides = [1, 1]} : vector<4x96xf32> to vector<4x8xf32>
    %slice3A_178 = vector.extract_strided_slice %add3A_151 {offsets = [0, 24], sizes = [4, 8], strides = [1, 1]} : vector<4x96xf32> to vector<4x8xf32>
    %slice3A_179 = vector.extract_strided_slice %add3A_151 {offsets = [0, 32], sizes = [4, 8], strides = [1, 1]} : vector<4x96xf32> to vector<4x8xf32>
    %slice3A_180 = vector.extract_strided_slice %add3A_151 {offsets = [0, 40], sizes = [4, 8], strides = [1, 1]} : vector<4x96xf32> to vector<4x8xf32>
    %slice3A_181 = vector.extract_strided_slice %add3A_151 {offsets = [0, 48], sizes = [4, 8], strides = [1, 1]} : vector<4x96xf32> to vector<4x8xf32>
    %slice3A_182 = vector.extract_strided_slice %add3A_151 {offsets = [0, 56], sizes = [4, 8], strides = [1, 1]} : vector<4x96xf32> to vector<4x8xf32>
    %slice3A_183 = vector.extract_strided_slice %add3A_151 {offsets = [0, 64], sizes = [4, 8], strides = [1, 1]} : vector<4x96xf32> to vector<4x8xf32>
    %slice3A_184 = vector.extract_strided_slice %add3A_151 {offsets = [0, 72], sizes = [4, 8], strides = [1, 1]} : vector<4x96xf32> to vector<4x8xf32>
    %slice3A_185 = vector.extract_strided_slice %add3A_151 {offsets = [0, 80], sizes = [4, 8], strides = [1, 1]} : vector<4x96xf32> to vector<4x8xf32>
    %slice3A_186 = vector.extract_strided_slice %add3A_151 {offsets = [0, 88], sizes = [4, 8], strides = [1, 1]} : vector<4x96xf32> to vector<4x8xf32>
    %concatenate3A_187 = tpu.concatenate %slice3A_175, %slice3A_176, %slice3A_177, %slice3A_178, %slice3A_179, %slice3A_180, %slice3A_181, %slice3A_182, %slice3A_183, %slice3A_184, %slice3A_185, %slice3A_186 in 0 : vector<4x8xf32>, vector<4x8xf32>, vector<4x8xf32>, vector<4x8xf32>, vector<4x8xf32>, vector<4x8xf32>, vector<4x8xf32>, vector<4x8xf32>, vector<4x8xf32>, vector<4x8xf32>, vector<4x8xf32>, vector<4x8xf32> -> vector<48x8xf32>
    %slice3A_188 = vector.extract_strided_slice %add3A_161 {offsets = [0, 0], sizes = [4, 16], strides = [1, 1]} : vector<4x192xf32> to vector<4x16xf32>
    %slice3A_189 = vector.extract_strided_slice %add3A_161 {offsets = [0, 16], sizes = [4, 16], strides = [1, 1]} : vector<4x192xf32> to vector<4x16xf32>
    %slice3A_190 = vector.extract_strided_slice %add3A_161 {offsets = [0, 32], sizes = [4, 16], strides = [1, 1]} : vector<4x192xf32> to vector<4x16xf32>
    %slice3A_191 = vector.extract_strided_slice %add3A_161 {offsets = [0, 48], sizes = [4, 16], strides = [1, 1]} : vector<4x192xf32> to vector<4x16xf32>
    %slice3A_192 = vector.extract_strided_slice %add3A_161 {offsets = [0, 64], sizes = [4, 16], strides = [1, 1]} : vector<4x192xf32> to vector<4x16xf32>
    %slice3A_193 = vector.extract_strided_slice %add3A_161 {offsets = [0, 80], sizes = [4, 16], strides = [1, 1]} : vector<4x192xf32> to vector<4x16xf32>
    %slice3A_194 = vector.extract_strided_slice %add3A_161 {offsets = [0, 96], sizes = [4, 16], strides = [1, 1]} : vector<4x192xf32> to vector<4x16xf32>
    %slice3A_195 = vector.extract_strided_slice %add3A_161 {offsets = [0, 112], sizes = [4, 16], strides = [1, 1]} : vector<4x192xf32> to vector<4x16xf32>
    %slice3A_196 = vector.extract_strided_slice %add3A_161 {offsets = [0, 128], sizes = [4, 16], strides = [1, 1]} : vector<4x192xf32> to vector<4x16xf32>
    %slice3A_197 = vector.extract_strided_slice %add3A_161 {offsets = [0, 144], sizes = [4, 16], strides = [1, 1]} : vector<4x192xf32> to vector<4x16xf32>
    %slice3A_198 = vector.extract_strided_slice %add3A_161 {offsets = [0, 160], sizes = [4, 16], strides = [1, 1]} : vector<4x192xf32> to vector<4x16xf32>
    %slice3A_199 = vector.extract_strided_slice %add3A_161 {offsets = [0, 176], sizes = [4, 16], strides = [1, 1]} : vector<4x192xf32> to vector<4x16xf32>
    %concatenate3A_200 = tpu.concatenate %slice3A_188, %slice3A_189, %slice3A_190, %slice3A_191, %slice3A_192, %slice3A_193, %slice3A_194, %slice3A_195, %slice3A_196, %slice3A_197, %slice3A_198, %slice3A_199 in 0 : vector<4x16xf32>, vector<4x16xf32>, vector<4x16xf32>, vector<4x16xf32>, vector<4x16xf32>, vector<4x16xf32>, vector<4x16xf32>, vector<4x16xf32>, vector<4x16xf32>, vector<4x16xf32>, vector<4x16xf32>, vector<4x16xf32> -> vector<48x16xf32>
    %slice3A_201 = vector.extract_strided_slice %add3A_129 {offsets = [0, 96], sizes = [4, 8], strides = [1, 1]} : vector<4x168xf32> to vector<4x8xf32>
    %slice3A_202 = vector.extract_strided_slice %add3A_129 {offsets = [0, 104], sizes = [4, 8], strides = [1, 1]} : vector<4x168xf32> to vector<4x8xf32>
    %slice3A_203 = vector.extract_strided_slice %add3A_129 {offsets = [0, 112], sizes = [4, 8], strides = [1, 1]} : vector<4x168xf32> to vector<4x8xf32>
    %slice3A_204 = vector.extract_strided_slice %add3A_129 {offsets = [0, 120], sizes = [4, 8], strides = [1, 1]} : vector<4x168xf32> to vector<4x8xf32>
    %slice3A_205 = vector.extract_strided_slice %add3A_129 {offsets = [0, 128], sizes = [4, 8], strides = [1, 1]} : vector<4x168xf32> to vector<4x8xf32>
    %slice3A_206 = vector.extract_strided_slice %add3A_129 {offsets = [0, 136], sizes = [4, 8], strides = [1, 1]} : vector<4x168xf32> to vector<4x8xf32>
    %slice3A_207 = vector.extract_strided_slice %add3A_129 {offsets = [0, 144], sizes = [4, 8], strides = [1, 1]} : vector<4x168xf32> to vector<4x8xf32>
    %slice3A_208 = vector.extract_strided_slice %add3A_129 {offsets = [0, 152], sizes = [4, 8], strides = [1, 1]} : vector<4x168xf32> to vector<4x8xf32>
    %slice3A_209 = vector.extract_strided_slice %add3A_129 {offsets = [0, 160], sizes = [4, 8], strides = [1, 1]} : vector<4x168xf32> to vector<4x8xf32>
    %concatenate3A_210 = tpu.concatenate %slice3A_201, %slice3A_202, %slice3A_203, %slice3A_204, %slice3A_205, %slice3A_206, %slice3A_207, %slice3A_208, %slice3A_209 in 0 : vector<4x8xf32>, vector<4x8xf32>, vector<4x8xf32>, vector<4x8xf32>, vector<4x8xf32>, vector<4x8xf32>, vector<4x8xf32>, vector<4x8xf32>, vector<4x8xf32> -> vector<36x8xf32>
    %reduce_max3A = arith.constant dense<0xFF800000> : vector<36xf32>
    %reduce_max3A_211 = vector.multi_reduction <maximumf>, %concatenate3A_210, %reduce_max3A [1] : vector<36x8xf32> to vector<36xf32>
    %broadcast_in_dim3A_212 = vector.shape_cast %reduce_max3A_211 : vector<36xf32> to vector<36x1xf32>
    %sub3A_213 = vector.broadcast %broadcast_in_dim3A_212 : vector<36x1xf32> to vector<36x8xf32>
    %sub3A_214 = arith.subf %concatenate3A_210, %sub3A_213 : vector<36x8xf32>
    %exp3A = math.exp %sub3A_214 : vector<36x8xf32>
    %reduce_sum3A_215 = arith.constant dense<0.000000e+00> : vector<36xf32>
    %reduce_sum3A_216 = vector.multi_reduction <add>, %exp3A, %reduce_sum3A_215 [1] : vector<36x8xf32> to vector<36xf32>
    %broadcast_in_dim3A_217 = vector.shape_cast %reduce_sum3A_216 : vector<36xf32> to vector<36x1xf32>
    %log3A = math.log %broadcast_in_dim3A_217 : vector<36x1xf32>
    %add3A_218 = arith.addf %broadcast_in_dim3A_212, %log3A : vector<36x1xf32>
    %sub3A_219 = vector.broadcast %add3A_218 : vector<36x1xf32> to vector<36x8xf32>
    %sub3A_220 = arith.subf %concatenate3A_210, %sub3A_219 : vector<36x8xf32>
    %reduce_max3A_221 = arith.constant dense<0xFF800000> : vector<48xf32>
    %reduce_max3A_222 = vector.multi_reduction <maximumf>, %concatenate3A_174, %reduce_max3A_221 [1] : vector<48x8xf32> to vector<48xf32>
    %broadcast_in_dim3A_223 = vector.shape_cast %reduce_max3A_222 : vector<48xf32> to vector<48x1xf32>
    %sub3A_224 = vector.broadcast %broadcast_in_dim3A_223 : vector<48x1xf32> to vector<48x8xf32>
    %sub3A_225 = arith.subf %concatenate3A_174, %sub3A_224 : vector<48x8xf32>
    %exp3A_226 = math.exp %sub3A_225 : vector<48x8xf32>
    %reduce_sum3A_227 = arith.constant dense<0.000000e+00> : vector<48xf32>
    %reduce_sum3A_228 = vector.multi_reduction <add>, %exp3A_226, %reduce_sum3A_227 [1] : vector<48x8xf32> to vector<48xf32>
    %broadcast_in_dim3A_229 = vector.shape_cast %reduce_sum3A_228 : vector<48xf32> to vector<48x1xf32>
    %log3A_230 = math.log %broadcast_in_dim3A_229 : vector<48x1xf32>
    %add3A_231 = arith.addf %broadcast_in_dim3A_223, %log3A_230 : vector<48x1xf32>
    %sub3A_232 = vector.broadcast %add3A_231 : vector<48x1xf32> to vector<48x8xf32>
    %sub3A_233 = arith.subf %concatenate3A_174, %sub3A_232 : vector<48x8xf32>
    %reduce_max3A_234 = arith.constant dense<0xFF800000> : vector<48xf32>
    %reduce_max3A_235 = vector.multi_reduction <maximumf>, %concatenate3A_187, %reduce_max3A_234 [1] : vector<48x8xf32> to vector<48xf32>
    %broadcast_in_dim3A_236 = vector.shape_cast %reduce_max3A_235 : vector<48xf32> to vector<48x1xf32>
    %sub3A_237 = vector.broadcast %broadcast_in_dim3A_236 : vector<48x1xf32> to vector<48x8xf32>
    %sub3A_238 = arith.subf %concatenate3A_187, %sub3A_237 : vector<48x8xf32>
    %exp3A_239 = math.exp %sub3A_238 : vector<48x8xf32>
    %reduce_sum3A_240 = arith.constant dense<0.000000e+00> : vector<48xf32>
    %reduce_sum3A_241 = vector.multi_reduction <add>, %exp3A_239, %reduce_sum3A_240 [1] : vector<48x8xf32> to vector<48xf32>
    %broadcast_in_dim3A_242 = vector.shape_cast %reduce_sum3A_241 : vector<48xf32> to vector<48x1xf32>
    %log3A_243 = math.log %broadcast_in_dim3A_242 : vector<48x1xf32>
    %add3A_244 = arith.addf %broadcast_in_dim3A_236, %log3A_243 : vector<48x1xf32>
    %sub3A_245 = vector.broadcast %add3A_244 : vector<48x1xf32> to vector<48x8xf32>
    %sub3A_246 = arith.subf %concatenate3A_187, %sub3A_245 : vector<48x8xf32>
    %concatenate3A_247 = tpu.concatenate %sub3A_233, %sub3A_246, %sub3A_220, %sub3A_220, %sub3A_220, %sub3A_220, %sub3A_220, %sub3A_220, %sub3A_220, %sub3A_220, %sub3A_220, %sub3A_220, %sub3A_220, %sub3A_220 in 0 : vector<48x8xf32>, vector<48x8xf32>, vector<36x8xf32>, vector<36x8xf32>, vector<36x8xf32>, vector<36x8xf32>, vector<36x8xf32>, vector<36x8xf32>, vector<36x8xf32>, vector<36x8xf32>, vector<36x8xf32>, vector<36x8xf32>, vector<36x8xf32>, vector<36x8xf32> -> vector<528x8xf32>
    %broadcast_in_dim3A_248 = arith.constant -1.000000e+30 : f32
    %broadcast_in_dim3A_249 = vector.broadcast %broadcast_in_dim3A_248 : f32 to vector<528x8xf32>
    %concatenate3A_250 = tpu.concatenate %concatenate3A_247, %broadcast_in_dim3A_249 in 1 : vector<528x8xf32>, vector<528x8xf32> -> vector<528x16xf32>
    %iota3A = tpu.iota {dimensions = array<i32: 1>} : vector<192x16xi32>
    %eq3A = arith.constant 0 : i32
    %eq3A_251 = vector.broadcast %eq3A : i32 to vector<192x16xi32>
    %eq3A_252 = arith.cmpi eq, %iota3A, %eq3A_251 : vector<192x16xi32>
    %jit3A = arith.constant 0.000000e+00 : f32
    %jit3A_253 = arith.constant -1.000000e+30 : f32
    %broadcast_in_dim3A_254 = vector.broadcast %jit3A : f32 to vector<192x16xf32>
    %broadcast_in_dim3A_255 = vector.broadcast %jit3A_253 : f32 to vector<192x16xf32>
    %select_n3A = arith.select %eq3A_252, %broadcast_in_dim3A_254, %broadcast_in_dim3A_255 : vector<192x16xi1>, vector<192x16xf32>
    %reduce_max3A_256 = arith.constant dense<0xFF800000> : vector<48xf32>
    %reduce_max3A_257 = vector.multi_reduction <maximumf>, %concatenate3A_200, %reduce_max3A_256 [1] : vector<48x16xf32> to vector<48xf32>
    %broadcast_in_dim3A_258 = vector.shape_cast %reduce_max3A_257 : vector<48xf32> to vector<48x1xf32>
    %sub3A_259 = vector.broadcast %broadcast_in_dim3A_258 : vector<48x1xf32> to vector<48x16xf32>
    %sub3A_260 = arith.subf %concatenate3A_200, %sub3A_259 : vector<48x16xf32>
    %exp3A_261 = math.exp %sub3A_260 : vector<48x16xf32>
    %reduce_sum3A_262 = arith.constant dense<0.000000e+00> : vector<48xf32>
    %reduce_sum3A_263 = vector.multi_reduction <add>, %exp3A_261, %reduce_sum3A_262 [1] : vector<48x16xf32> to vector<48xf32>
    %broadcast_in_dim3A_264 = vector.shape_cast %reduce_sum3A_263 : vector<48xf32> to vector<48x1xf32>
    %log3A_265 = math.log %broadcast_in_dim3A_264 : vector<48x1xf32>
    %add3A_266 = arith.addf %broadcast_in_dim3A_258, %log3A_265 : vector<48x1xf32>
    %sub3A_267 = vector.broadcast %add3A_266 : vector<48x1xf32> to vector<48x16xf32>
    %sub3A_268 = arith.subf %concatenate3A_200, %sub3A_267 : vector<48x16xf32>
    %concatenate3A_269 = tpu.concatenate %concatenate3A_250, %sub3A_268, %select_n3A in 0 : vector<528x16xf32>, vector<48x16xf32>, vector<192x16xf32> -> vector<768x16xf32>
    %swap3A = arith.constant 0 : index
    %swap3A_270 = arith.constant 0 : index
    %swap3A_271 = vector.load %arg22[%swap3A, %swap3A_270] : memref<768x16xf32, #tpu.memory_space<vmem>>, vector<768x16xf32>
    tpu.vector_store %arg22[%swap3A, %swap3A_270], %concatenate3A_269 {strides = array<i32>} : memref<768x16xf32, #tpu.memory_space<vmem>>, vector<768x16xf32>,
    return
  }
}

</mosaic_0001>

<sc_bundles>
// kernel: kernel.6.cloned.1.call-start
scs
__scs_entry_jumppad:
0x0: {  	(pc) =	sbr.rel $0x88, $3  }
0x1: {  	(tag) =	ssettag $0x0;
	lr =	simm.s32 $0x1  }
0x2: {  	[smem:$0x3F78] =	sst lr;
	_ =	strace $0xD0000000  }
0x3: {  	_ = 	snop  }
0x4: {  	_ = 	snop  }
0x5: {  	_ = 	snop  }
0x6: {  	_ = 	snop  }
0x7: {  	_ = 	snop  }
__scs_overlays_trampoline_lowered:
0x8: {  	[smem:$0x3F87] =	sst s0  }
0x9: {  	[smem:$0x3F88] =	sst s1  }
0xa: {  	[smem:$0x3F89] =	sst s2  }
0xb: {  	[smem:$0x3F8A] =	sst s3  }
0xc: {  	[smem:$0x3F8B] =	sst s4  }
0xd: {  	[smem:$0x3F8C] =	sst s5  }
0xe: {  	[smem:$0x3F8D] =	sst s6  }
0xf: {  	[smem:$0x3F8E] =	sst s7  }
0x10: {  	[smem:$0x3F8F] =	sst s8  }
0x11: {  	[smem:$0x3F90] =	sst s9;
	s0 =	simm.s32 @!p0 $0x0  }
0x12: {  	s1 =	sld [smem:$0x3F76];
	s0 =	simm.s32 @p0 $0x1  }
0x13: {  	[smem:$0x3F91] =	sst s0;
	s0 =	simm.s32 @!p1 $0x0  }
0x14: {  	s2 =	sld [smem:$0x3F75];
	s0 =	simm.s32 @p1 $0x1  }
0x15: {  	[smem:$0x3F92] =	sst s0;
	s0 =	simm.s32 @!p2 $0x0  }
0x16: {  	s3 =	sld [smem:$0x3FDB];
	s0 =	simm.s32 @p2 $0x1  }
0x17: {  	s4 =	simm.s32 $0x1BF5;
	[smem:$0x3F94] =	sst s0  }
0x18: {  	s0 =	sld [smem:$0x3F77];
	_ =	swait.ge [sflag:s4], $0x0  }
0x19: {  	s7 =	sld [smem:$0x3F78]  }
0x1a: {  	s8 =	sadd.s32 $0xFFFFE003, lr  }
0x1b: {  	s9 =	sadd.s32 $0xFFFFFEF7, lr;
	s5 =	simm.s32 $0xFFFFFFFF;
	p2 =	slt.u32 s8, $0xFFFFF086  }
0x1c: {  	p1 =	slt.u32 s9, $0xF7A;
	s5 =	simm.s32 @!p2 $0x0  }
0x1d: {  	s5 =	simm.s32 @p1 $0x1;
	p0 =	seq.s32 s7, s2  }
0x1e: {  	s7 =	smul.u32 @!p0 $0xF7A, s2;
	p2 =	seq.s32 @!p0 s5, $0x0  }
0x1f: {  	s9 =	smul.u32 $0xF7A, s1;
	s8 =	simm.s32 @!p0 $0x1BF5;
	p2 =	por !p2, p0  }
0x20: {  	[sflag:s8] =	ssyncset.s32 @!p0 $0xFFFFF086;
	s6 =	sadd.s32 @!p0 s3, s7;
	s7 =	simm.s32 @!p0 $0x108  }
0x21: {  	s3 =	sadd.s32 s3, s9;
	s6 =	sadd.s32 @!p0 $0x88, s6;
	s7 =	simm.s32 @p2 $0x1082  }
0x22: {  	[simem:s7], [sflag:s8] =	dma.local @!p0 [hbm:s6], $0xF7A  }
0x23: {  	s9 =	sor.u32 $0xD0000000, s2;
	s6 =	simm.s32 $0x108;
	_ =	swait.ge @!p0 [sflag:s8], $0x0  }
0x24: {  	s3 =	sadd.s32 $0x88, s3;
	s6 =	simm.s32 @!p1 $0x1082;
	[sflag:s4] =	ssyncset.s32 $0xFFFFF086  }
0x25: {  	[simem:s6], [sflag:s4] =	dma.local [hbm:s3], $0xF7A  }
0x26: {  	[smem:$0x3F78] =	sst s1;
	(tag) =	ssettag s2;
	_ =	strace s9  }
0x27: {  	s1 =	sld [smem:$0x3F88]  }
0x28: {  	s2 =	sld [smem:$0x3F89]  }
0x29: {  	s4 =	sld [smem:$0x3F8B]  }
0x2a: {  	p0 =	seq.s32 s5, $0x0;
	s5 =	sld [smem:$0x3F8C]  }
0x2b: {  	s6 =	sld [smem:$0x3F8D]  }
0x2c: {  	s7 =	sld [smem:$0x3F8E]  }
0x2d: {  	s3 =	simm.s32 $0x108;
	s8 =	sld [smem:$0x3F8F]  }
0x2e: {  	s3 =	simm.s32 @!p0 $0x1082;
	s9 =	sld [smem:$0x3F90]  }
0x2f: {  	lr =	sadd.s32 s0, s3;
	s0 =	sld [smem:$0x3F87]  }
0x30: {  	s3 =	sld [smem:$0x3F8A]  }
0x31: {  	[smem:$0x3F93] =	sst s10  }
0x32: {  	s10 =	sld [smem:$0x3F91];
	_ =	sdelay $0x3  }
0x33: {  	p0 =	seq.s32 s10, $0x1;
	s10 =	sld [smem:$0x3F93];
	_ =	sdelay $0x3  }
0x34: {  	[smem:$0x3F93] =	sst s10  }
0x35: {  	s10 =	sld [smem:$0x3F92];
	_ =	sdelay $0x3  }
0x36: {  	p1 =	seq.s32 s10, $0x1;
	s10 =	sld [smem:$0x3F93];
	_ =	sdelay $0x3  }
0x37: {  	[smem:$0x3F93] =	sst s10  }
0x38: {  	s10 =	sld [smem:$0x3F94]  }
0x39: {  	_ = 	snop;
	(pc) =	sbr.ind lr, $3  }
0x3a: {  	_ = 	snop  }
0x3b: {  	_ = 	snop  }
0x3c: {  	p2 =	seq.s32 s10, $0x1;
	s10 =	sld [smem:$0x3F93]  }
0x3d: {  	_ =	shalt  }
0x3e: {  	_ =	shalt  }
0x3f: {  	_ =	shalt  }
0x40: {  	_ =	shalt  }
0x41: {  	_ =	shalt  }
0x42: {  	_ =	shalt  }
0x43: {  	_ =	shalt  }
0x44: {  	_ =	shalt  }
0x45: {  	_ =	shalt  }
0x46: {  	_ =	shalt  }
0x47: {  	_ =	shalt  }
0x48: {  	_ =	shalt  }
0x49: {  	_ =	shalt  }
0x4a: {  	_ =	shalt  }
0x4b: {  	_ =	shalt  }
0x4c: {  	_ =	shalt  }
0x4d: {  	_ =	shalt  }
0x4e: {  	_ =	shalt  }
0x4f: {  	_ =	shalt  }
0x50: {  	_ =	shalt  }
0x51: {  	_ =	shalt  }
0x52: {  	_ =	shalt  }
0x53: {  	_ =	shalt  }
0x54: {  	_ =	shalt  }
0x55: {  	_ =	shalt  }
0x56: {  	_ =	shalt  }
0x57: {  	_ =	shalt  }
0x58: {  	_ =	shalt  }
0x59: {  	_ =	shalt  }
0x5a: {  	_ =	shalt  }
0x5b: {  	_ =	shalt  }
0x5c: {  	_ =	shalt  }
0x5d: {  	_ =	shalt  }
0x5e: {  	_ =	shalt  }
0x5f: {  	_ =	shalt  }
0x60: {  	_ =	shalt  }
0x61: {  	_ =	shalt  }
0x62: {  	_ =	shalt  }
0x63: {  	_ =	shalt  }
0x64: {  	_ =	shalt  }
0x65: {  	_ =	shalt  }
0x66: {  	_ =	shalt  }
0x67: {  	_ =	shalt  }
0x68: {  	_ =	shalt  }
0x69: {  	_ =	shalt  }
0x6a: {  	_ =	shalt  }
0x6b: {  	_ =	shalt  }
0x6c: {  	_ =	shalt  }
0x6d: {  	_ =	shalt  }
0x6e: {  	_ =	shalt  }
0x6f: {  	_ =	shalt  }
0x70: {  	_ =	shalt  }
0x71: {  	_ =	shalt  }
0x72: {  	_ =	shalt  }
0x73: {  	_ =	shalt  }
0x74: {  	_ =	shalt  }
0x75: {  	_ =	shalt  }
0x76: {  	_ =	shalt  }
0x77: {  	_ =	shalt  }
0x78: {  	_ =	shalt  }
0x79: {  	_ =	shalt  }
0x7a: {  	_ =	shalt  }
0x7b: {  	_ =	shalt  }
0x7c: {  	_ =	shalt  }
0x7d: {  	_ =	shalt  }
0x7e: {  	_ =	shalt  }
0x7f: {  	_ =	shalt  }
0x80: {  	_ =	shalt  }
0x81: {  	_ =	shalt  }
0x82: {  	_ =	shalt  }
0x83: {  	_ =	shalt  }
0x84: {  	_ =	shalt  }
0x85: {  	_ =	shalt  }
0x86: {  	_ =	shalt  }
0x87: {  	_ =	shalt  }
.Lfunc_end0:
.L_simem_size_0:
called_computation_lowered:
.L_overlay_start_0:
0x88: {  	s2 =	sld [smem:$0x3FD9]  }
0x89: {  	s3 =	sld [smem:$0x3FFE];
	_ =	sdelay $0x1  }
0x8a: {  	s1 =	srdreg.scid  }
0x8b: {  	s0 =	sand.u32 $0x1, s1  }
0x8c: {  	s16 =	sshll.u32 s0, $0xA;
	s2 =	sadd.s32 s3, s2  }
0x8d: {  	s2 =	sadd.s32 s2, s16  }
0x8e: {  	[smem:$0x3F9F] =	sst s2  }
0x8f: {  	_ = 	snop  }
0x90: {  	(tm) =	ssettm $0x1  }
0x91: {  	s17 =	sld [smem:$0x3FFB];
	_ =	sdelay $0x3  }
0x92: {  	_ =	strace s17  }
0x93: {  	s2 =	sld [smem:$0x3FFC];
	_ =	sdelay $0x3  }
0x94: {  	_ =	strace s2  }
0x95: {  	s2 =	sld [smem:$0x3FFD];
	_ =	sdelay $0x3  }
0x96: {  	_ =	strace s2  }
0x97: {  	_ =	strace $0x8FFFFFFF  }
0x98: {  	s18 =	sld [smem:$0x3FDB];
	_ =	sdelay $0x1  }
0x99: {  	s19 =	simm.s32 $_scs_section_size  }
0x9a: {  	s4 =	simm.s32 $_size__tile_overlayer_lowered;
	s5 =	simm.s32 $_tile_overlayer_lowered  }
0x9b: {  	s22 =	simm.s32 $0x1BFF;
	s21 =	sshll.u32 s5, $0x1;
	s2 =	sadd.s32 s19, s18  }
0x9c: {  	s6 =	simm.s32 $0x0;
	s20 =	sshll.u32 s4, $0x1;
	s4 =	sadd.s32 s21, s2  }
0x9d: {  	[timem:s6], [sflag:s22] =	dma.local [hbm:s4], s20  }
0x9e: {  	_ =	swait.ge [sflag:s22], s20  }
0x9f: {  	s3 =	ssub.s32 $0x0, s20;
	[sflag:s22] =	ssyncset.done $0x0  }
0xa0: {  	[sflag:s22] =	ssyncadd.s32 s3;
	_ =	sdelay $0x1  }
0xa1: {  	s23 =	simm.s32 $0x1B8B  }
0xa2: {  	_ =	swait.ge [sflag:s23], $0x1  }
0xa3: {  	[sflag:s23] =	ssyncset.done $0x0  }
0xa4: {  	s25 =	simm.s32 $0x1B8E;
	s24 =	sld [smem:$0x3FFE];
	[sflag:s23] =	ssyncadd.s32 $0xFFFFFFFF  }
0xa5: {  	s26 =	simm.s32 $execute0_lowered;
	[smem:$0x3FD2] =	sst s25  }
0xa6: {  	s4 =	sshll.u32 s26, $0x1;
	_ =	strace $0x80000046;
	[dreg:$0x1] =	wrdreg $0xFFFFFFFF  }
0xa7: {  	s28 =	simm.s32 $_size_execute0_lowered;
	s2 =	sadd.s32 s2, s4;
	[dreg:$0x0] =	wrdreg $0x0  }
0xa8: {  	s4 =	sshll.u32 s28, $0x1;
	[dreg:$0x2] =	wrdreg s2  }
0xa9: {  	[dreg:$0x3] =	wrdreg s4  }
0xaa: {  	[dreg:$0x4] =	wrdreg $0xC0  }
0xab: {  	_ =	task [dreg:s6], $0x5FFFF  }
0xac: {  	[dreg:$0x1] =	wrdreg $0xFFFFFFFF  }
0xad: {  	[dreg:$0x0] =	wrdreg $0x60  }
0xae: {  	[dreg:$0x2] =	wrdreg s24  }
0xaf: {  	[dreg:$0x3] =	wrdreg $0x9  }
0xb0: {  	_ =	task.clear_ibuf [dreg:s6], $0x4FFFF;
	_ =	strace $0x90000046  }
0xb1: {  	s29 =	simm.s32 $0x9;
	_ =	strace $0x80000048  }
0xb2: {  	_ =	swait.ge [sflag:s29], $0x1  }
0xb3: {  	[sflag:s29] =	ssyncadd.s32 $0xFFFFFFFF  }
0xb4: {  	_ =	strace $0x90000048  }
0xb5: {  	_ =	sfence  }
0xb6: {  	s30 =	sld [smem:$0x0];
	_ =	sdelay $0x2  }
0xb7: {  	s31 =	sshll.u32 s1, $0xD;
	s1 =	sshrl.u32 s1, $0x2  }
0xb8: {  	s3 =	sand.u32 $0x4000, s31;
	s1 =	sadd.s32 s1, s30  }
0xb9: {  	s0 =	sor.u32 s3, s0;
	s1 =	sshll.u32 s1, $0x11  }
0xba: {  	s0 =	sor.u32 s1, s0  }
0xbb: {  	s0 =	sadd.s32 $0x8F2B, s0  }
0xbc: {  	[sflag:s0] =	ssyncadd.remote.s32 $0x1  }
0xbd: {  	_ =	sfence.sel $0xFFFF  }
0xbe: {  	[dreg:$0x0] =	wrdreg $0xFFFFFFFF;
	(pc) =	sbr.abs _section_cstart, $3  }
0xbf: {  	[dreg:$0x1] =	wrdreg $0xFFFFFFFF  }
0xc0: {  	_ =	task.clear_ibuf [dreg:s6], $0x2FFFF;
	_ =	strace $0x9FFFFFFF  }
0xc1: {  	(tm) =	ssettm $0x7FFFFFFF  }
tec
execute0_lowered:
.L_overlay_start_1:
0x0: {  	(tag) =	ssettag $0x1  }
0x1: {  	s3 =	rddreg [dreg:$0x0]  }
0x2: {  	s0 =	rddreg [dreg:$0x1];
	s2 =	simm.s32 $0x0  }
0x3: {  	s4 =	srdreg.scid;
	s1 =	stileid.u32;
	s11 =	simm.s32 $0x1000  }
0x4: {  	[smem:$0x7FF] =	sst s2;
	s4 =	sand.u32 $0x1, s4;
	s5 =	sshll.u32 s1, $0x1  }
0x5: {  	s6 =	sadd.s32 $0x4200, s3;
	s7 =	sadd.s32 $0x7200, s3;
	p0 =	sgt.u32 s1, $0x7  }
0x6: {  	_ =	strace $0x80000047;
	s5 =	sor.u32 s4, s5;
	s4 =	ssub.s32 $0x2, s4  }
.Ltmp0:
0x7: {  	s8 =	sshll.u32 s5, $0x7;
	s31 =	sshrl.u32 s4, $0x1;
	(pc) =	sbr.rel .LBB2_1-.Ltmp0, $4  }
0x8: {  	s5 =	sshll.u32 s5, $0x8;
	s8 =	sadd.s32 s8, s3;
	s9 =	ssub.s32 s4, s31  }
0x9: {  	s3 =	sadd.s32 s6, s5;
	s10 =	sor.u32 $0x2000, s5;
	s4 =	sadd.s32 s7, s5  }
0xa: {  	s5 =	sadd.s32 s6, s10;
	s6 =	sadd.s32 s7, s10;
	s7 =	sadd.s32 $0xA200, s8  }
0xb: {  	v0 =	vimm.f32 $0.0e+00;
	s8 =	smax.u32 s9, $0x1;
	s9 =	simm.s32 $0x1;
	s10 =	simm.s32 $0x800  }
.LBB2_3:
0xc: {  	[tilespmem:$0x1080] =	vst v1  }
0xd: {  	[tilespmem:$0x1100] =	vst v0  }
0xe: {  	[tilespmem:$0x1180] =	vst v0  }
0xf: {  	[tilespmem:$0x1200] =	vst v0  }
0x10: {  	[tilespmem:$0x1280] =	vst v0;
	s8 =	sadd.s32 $0xFFFFFFFF, s8  }
0x11: {  	[tilespmem:$0x1300] =	vst v0;
	p1 =	sne.s32 s8, $0x0  }
.Ltmp1:
0x12: {  	[tilespmem:$0x1380] =	vst v0;
	(pc) =	sbr.rel @!p1 .LBB2_4-.Ltmp1, $4  }
0x13: {  	[hbm4b:s7+s2] =	stream.linear.scatter [tilespmem:s11], [sflag:$0x1], $0x400, $0x38;
	[tilespmem:$0x1400] =	vst v63  }
0x14: {  	_ =	swait.ge [sflag:s9], $0x400  }
0x15: {  	[sflag:s9] =	ssyncset.done $0x0  }
0x16: {  	[sflag:s9] =	ssyncadd.s32 $0xFFFFFC00  }
.LBB2_1:
0x17: {  	[tilespmem:s2], [sflag:$0x1] =	stream.linear.gather [hbm4b:s3+s2], $0x800, $0x38;
	[tilespmem:$0x1400] =	vst v63  }
0x18: {  	_ =	swait.ge [sflag:s9], $0x800  }
0x19: {  	[sflag:s9] =	ssyncset.done $0x0  }
0x1a: {  	[sflag:s9] =	ssyncadd.s32 $0xFFFFF800  }
0x1b: {  	[tilespmem:s10], [sflag:$0x1] =	stream.linear.gather [hbm4b:s4+s2], $0x800, $0x38;
	[tilespmem:$0x1400] =	vst v63  }
0x1c: {  	_ =	swait.ge [sflag:s9], $0x800  }
0x1d: {  	[sflag:s9] =	ssyncset.done $0x0  }
0x1e: {  	[sflag:s9] =	ssyncadd.s32 $0xFFFFF800  }
0x1f: {  	v1 =	vld [tilespmem:$0x0]  }
0x20: {  	v2 =	vld [tilespmem:$0x800]  }
0x21: {  	v3 =	vld [tilespmem:$0x80]  }
0x22: {  	v4 =	vld [tilespmem:$0x880]  }
0x23: {  	v5 =	vld [tilespmem:$0x100]  }
0x24: {  	v6 =	vld [tilespmem:$0x900]  }
0x25: {  	v7 =	vld [tilespmem:$0x180]  }
0x26: {  	v8 =	vld [tilespmem:$0x980]  }
0x27: {  	v9 =	vld [tilespmem:$0x200]  }
0x28: {  	v10 =	vld [tilespmem:$0xA00]  }
0x29: {  	v11 =	vld [tilespmem:$0x280]  }
0x2a: {  	v12 =	vld [tilespmem:$0xA80]  }
0x2b: {  	v13 =	vld [tilespmem:$0x300]  }
0x2c: {  	v14 =	vld [tilespmem:$0xB00]  }
0x2d: {  	v15 =	vld [tilespmem:$0x380]  }
0x2e: {  	v16 =	vld [tilespmem:$0xB80]  }
0x2f: {  	v17 =	vld [tilespmem:$0x400]  }
0x30: {  	v18 =	vld [tilespmem:$0xC00]  }
0x31: {  	v19 =	vld [tilespmem:$0x480]  }
0x32: {  	v20 =	vld [tilespmem:$0xC80]  }
0x33: {  	v21 =	vld [tilespmem:$0x500]  }
0x34: {  	v22 =	vld [tilespmem:$0xD00]  }
0x35: {  	v23 =	vld [tilespmem:$0x580];
	v2 =	vadd.f32 v2, v1;
	v4 =	vadd.f32 v4, v3  }
0x36: {  	v24 =	vld [tilespmem:$0xD80];
	v6 =	vadd.f32 v6, v5  }
0x37: {  	v25 =	vld [tilespmem:$0x600];
	v8 =	vadd.f32 v8, v7;
	v26 =	vmax.f32 v2, v4  }
0x38: {  	v27 =	vld [tilespmem:$0xE00];
	v10 =	vadd.f32 v10, v9;
	v26 =	vmax.f32 v26, v6  }
0x39: {  	v28 =	vld [tilespmem:$0x680];
	v12 =	vadd.f32 v12, v11;
	v26 =	vmax.f32 v26, v8  }
0x3a: {  	v29 =	vld [tilespmem:$0xE80];
	v14 =	vadd.f32 v14, v13;
	v26 =	vmax.f32 v26, v10  }
0x3b: {  	v30 =	vld [tilespmem:$0x700];
	v16 =	vadd.f32 v16, v15;
	v26 =	vmax.f32 v26, v12  }
0x3c: {  	v31 =	vld [tilespmem:$0xF00];
	v18 =	vadd.f32 v18, v17;
	v26 =	vmax.f32 v26, v14  }
0x3d: {  	v32 =	vld [tilespmem:$0x780];
	v20 =	vadd.f32 v20, v19;
	v26 =	vmax.f32 v26, v16  }
0x3e: {  	v33 =	vld [tilespmem:$0xF80];
	v22 =	vadd.f32 v22, v21;
	v26 =	vmax.f32 v26, v18  }
0x3f: {  	v24 =	vadd.f32 v24, v23;
	v26 =	vmax.f32 v26, v20  }
0x40: {  	v27 =	vadd.f32 v27, v25;
	v26 =	vmax.f32 v26, v22  }
0x41: {  	v29 =	vadd.f32 v29, v28;
	v26 =	vmax.f32 v26, v24  }
0x42: {  	v31 =	vadd.f32 v31, v30;
	v26 =	vmax.f32 v26, v27  }
0x43: {  	v33 =	vadd.f32 v33, v32;
	v26 =	vmax.f32 v26, v29  }
0x44: {  	v26 =	vmax.f32 v26, v31  }
0x45: {  	v1 =	vadd.f32 $0.0e+00, v1;
	v26 =	vmax.f32 v26, v33  }
0x46: {  	vm0 =	vge.f32 v2, v26;
	vm1 =	vge.f32 v4, v26  }
0x47: {  	v1 =	vnsel vm0, $0x0, v1;
	v2 =	vnsel vm1, $0x0, v3  }
0x48: {  	vm14 =	vge.f32 v6, v26;
	v1 =	vadd.f32 v2, v1  }
0x49: {  	v2 =	vnsel vm14, $0x0, v5  }
0x4a: {  	vm15 =	vge.f32 v8, v26;
	v1 =	vadd.f32 v1, v2  }
0x4b: {  	v2 =	vnsel vm15, $0x0, v7  }
0x4c: {  	vm4 =	vge.f32 v10, v26;
	v1 =	vadd.f32 v1, v2  }
0x4d: {  	v2 =	vnsel vm4, $0x0, v9  }
0x4e: {  	vm5 =	vge.f32 v12, v26;
	v1 =	vadd.f32 v1, v2  }
0x4f: {  	v2 =	vnsel vm5, $0x0, v11  }
0x50: {  	vm6 =	vge.f32 v14, v26;
	v1 =	vadd.f32 v1, v2  }
0x51: {  	v2 =	vnsel vm6, $0x0, v13  }
0x52: {  	vm7 =	vge.f32 v16, v26;
	v1 =	vadd.f32 v1, v2  }
0x53: {  	v2 =	vnsel vm7, $0x0, v15  }
0x54: {  	vm8 =	vge.f32 v18, v26;
	v1 =	vadd.f32 v1, v2  }
0x55: {  	v2 =	vnsel vm8, $0x0, v17  }
0x56: {  	vm9 =	vge.f32 v20, v26;
	v1 =	vadd.f32 v1, v2  }
0x57: {  	v2 =	vnsel vm9, $0x0, v19  }
0x58: {  	vm10 =	vge.f32 v22, v26;
	v1 =	vadd.f32 v1, v2  }
0x59: {  	v2 =	vnsel vm10, $0x0, v21  }
0x5a: {  	vm11 =	vge.f32 v24, v26;
	v1 =	vadd.f32 v1, v2  }
0x5b: {  	v2 =	vnsel vm11, $0x0, v23  }
0x5c: {  	vm12 =	vge.f32 v27, v26;
	v1 =	vadd.f32 v1, v2  }
0x5d: {  	v2 =	vnsel vm12, $0x0, v25  }
0x5e: {  	vm13 =	vge.f32 v29, v26;
	v1 =	vadd.f32 v1, v2  }
0x5f: {  	v2 =	vnsel vm13, $0x0, v28  }
0x60: {  	vm14 =	vge.f32 v31, v26;
	v1 =	vadd.f32 v1, v2  }
0x61: {  	v2 =	vnsel vm14, $0x0, v30  }
.Ltmp2:
0x62: {  	vm15 =	vge.f32 v33, v26;
	v1 =	vadd.f32 v1, v2;
	(pc) =	sbr.rel @p0 .LBB2_3-.Ltmp2, $3  }
0x63: {  	v2 =	vnsel vm15, $0x0, v32  }
0x64: {  	v1 =	vadd.f32 v1, v2;
	_ =	sdelay $0x1  }
0x65: {  	[tilespmem:$0x1000] =	vst v1;
	v1 =	vimm.f32 $0.0e+00  }
0x66: {  	[tilespmem:s2], [sflag:$0x1] =	stream.linear.gather [hbm4b:s5+s2], $0x800, $0x38;
	[tilespmem:$0x1400] =	vst v63  }
0x67: {  	_ =	swait.ge [sflag:s9], $0x800  }
0x68: {  	[sflag:s9] =	ssyncset.done $0x0  }
0x69: {  	[sflag:s9] =	ssyncadd.s32 $0xFFFFF800  }
0x6a: {  	[tilespmem:s10], [sflag:$0x1] =	stream.linear.gather [hbm4b:s6+s2], $0x800, $0x38;
	[tilespmem:$0x1400] =	vst v63  }
0x6b: {  	_ =	swait.ge [sflag:s9], $0x800  }
0x6c: {  	[sflag:s9] =	ssyncset.done $0x0  }
0x6d: {  	[sflag:s9] =	ssyncadd.s32 $0xFFFFF800  }
0x6e: {  	v1 =	vld [tilespmem:$0x0]  }
0x6f: {  	v2 =	vld [tilespmem:$0x800]  }
0x70: {  	v3 =	vld [tilespmem:$0x80]  }
0x71: {  	v4 =	vld [tilespmem:$0x880]  }
0x72: {  	v5 =	vld [tilespmem:$0x100]  }
0x73: {  	v6 =	vld [tilespmem:$0x900]  }
0x74: {  	v7 =	vld [tilespmem:$0x180]  }
0x75: {  	v8 =	vld [tilespmem:$0x980]  }
0x76: {  	v9 =	vld [tilespmem:$0x200]  }
0x77: {  	v10 =	vld [tilespmem:$0xA00]  }
0x78: {  	v11 =	vld [tilespmem:$0x280]  }
0x79: {  	v12 =	vld [tilespmem:$0xA80]  }
0x7a: {  	v13 =	vld [tilespmem:$0x300]  }
0x7b: {  	v14 =	vld [tilespmem:$0xB00]  }
0x7c: {  	v15 =	vld [tilespmem:$0x380]  }
0x7d: {  	v16 =	vld [tilespmem:$0xB80]  }
0x7e: {  	v17 =	vld [tilespmem:$0x400]  }
0x7f: {  	v18 =	vld [tilespmem:$0xC00]  }
0x80: {  	v19 =	vld [tilespmem:$0x480]  }
0x81: {  	v20 =	vld [tilespmem:$0xC80]  }
0x82: {  	v21 =	vld [tilespmem:$0x500]  }
0x83: {  	v22 =	vld [tilespmem:$0xD00]  }
0x84: {  	v23 =	vld [tilespmem:$0x580];
	v2 =	vadd.f32 v2, v1;
	v4 =	vadd.f32 v4, v3  }
0x85: {  	v24 =	vld [tilespmem:$0xD80];
	v6 =	vadd.f32 v6, v5  }
0x86: {  	v25 =	vld [tilespmem:$0x600];
	v8 =	vadd.f32 v8, v7;
	v26 =	vmax.f32 v2, v4  }
0x87: {  	v27 =	vld [tilespmem:$0xE00];
	v10 =	vadd.f32 v10, v9;
	v26 =	vmax.f32 v26, v6  }
0x88: {  	v28 =	vld [tilespmem:$0x680];
	v12 =	vadd.f32 v12, v11;
	v26 =	vmax.f32 v26, v8  }
0x89: {  	v29 =	vld [tilespmem:$0xE80];
	v14 =	vadd.f32 v14, v13;
	v26 =	vmax.f32 v26, v10  }
0x8a: {  	v30 =	vld [tilespmem:$0x700];
	v16 =	vadd.f32 v16, v15;
	v26 =	vmax.f32 v26, v12  }
0x8b: {  	v31 =	vld [tilespmem:$0xF00];
	v18 =	vadd.f32 v18, v17;
	v26 =	vmax.f32 v26, v14  }
0x8c: {  	v32 =	vld [tilespmem:$0x780];
	v20 =	vadd.f32 v20, v19;
	v26 =	vmax.f32 v26, v16  }
0x8d: {  	v33 =	vld [tilespmem:$0xF80];
	v22 =	vadd.f32 v22, v21;
	v26 =	vmax.f32 v26, v18  }
0x8e: {  	v24 =	vadd.f32 v24, v23;
	v26 =	vmax.f32 v26, v20  }
0x8f: {  	v27 =	vadd.f32 v27, v25;
	v26 =	vmax.f32 v26, v22  }
0x90: {  	v29 =	vadd.f32 v29, v28;
	v26 =	vmax.f32 v26, v24  }
0x91: {  	v31 =	vadd.f32 v31, v30;
	v26 =	vmax.f32 v26, v27  }
0x92: {  	v33 =	vadd.f32 v33, v32;
	v26 =	vmax.f32 v26, v29  }
0x93: {  	v26 =	vmax.f32 v26, v31  }
0x94: {  	v1 =	vadd.f32 $0.0e+00, v1;
	v26 =	vmax.f32 v26, v33  }
0x95: {  	vm0 =	vge.f32 v2, v26;
	vm1 =	vge.f32 v4, v26  }
0x96: {  	v1 =	vnsel vm0, $0x0, v1;
	v2 =	vnsel vm1, $0x0, v3  }
0x97: {  	vm14 =	vge.f32 v6, v26;
	v1 =	vadd.f32 v2, v1  }
0x98: {  	v2 =	vnsel vm14, $0x0, v5  }
0x99: {  	vm15 =	vge.f32 v8, v26;
	v1 =	vadd.f32 v1, v2  }
0x9a: {  	v2 =	vnsel vm15, $0x0, v7  }
0x9b: {  	vm4 =	vge.f32 v10, v26;
	v1 =	vadd.f32 v1, v2  }
0x9c: {  	v2 =	vnsel vm4, $0x0, v9  }
0x9d: {  	vm5 =	vge.f32 v12, v26;
	v1 =	vadd.f32 v1, v2  }
0x9e: {  	v2 =	vnsel vm5, $0x0, v11  }
0x9f: {  	vm6 =	vge.f32 v14, v26;
	v1 =	vadd.f32 v1, v2  }
0xa0: {  	v2 =	vnsel vm6, $0x0, v13  }
0xa1: {  	vm7 =	vge.f32 v16, v26;
	v1 =	vadd.f32 v1, v2  }
0xa2: {  	v2 =	vnsel vm7, $0x0, v15  }
0xa3: {  	vm8 =	vge.f32 v18, v26;
	v1 =	vadd.f32 v1, v2  }
0xa4: {  	v2 =	vnsel vm8, $0x0, v17  }
0xa5: {  	vm9 =	vge.f32 v20, v26;
	v1 =	vadd.f32 v1, v2  }
0xa6: {  	v2 =	vnsel vm9, $0x0, v19  }
0xa7: {  	vm10 =	vge.f32 v22, v26;
	v1 =	vadd.f32 v1, v2  }
0xa8: {  	v2 =	vnsel vm10, $0x0, v21  }
0xa9: {  	vm11 =	vge.f32 v24, v26;
	v1 =	vadd.f32 v1, v2  }
0xaa: {  	v2 =	vnsel vm11, $0x0, v23  }
0xab: {  	vm12 =	vge.f32 v27, v26;
	v1 =	vadd.f32 v1, v2  }
0xac: {  	v2 =	vnsel vm12, $0x0, v25  }
0xad: {  	vm13 =	vge.f32 v29, v26;
	v1 =	vadd.f32 v1, v2  }
0xae: {  	v2 =	vnsel vm13, $0x0, v28  }
0xaf: {  	vm14 =	vge.f32 v31, v26;
	v1 =	vadd.f32 v1, v2  }
.Ltmp3:
0xb0: {  	v2 =	vnsel vm14, $0x0, v30;
	(pc) =	sbr.rel .LBB2_3-.Ltmp3, $3  }
0xb1: {  	vm15 =	vge.f32 v33, v26;
	v1 =	vadd.f32 v1, v2  }
0xb2: {  	v2 =	vnsel vm15, $0x0, v32  }
0xb3: {  	v1 =	vadd.f32 v1, v2;
	_ =	sdelay $0x1  }
.LBB2_4:
0xb4: {  	_ =	sfence.sel $0x180000  }
0xb5: {  	[bflag:$0x0] =	sbarrier.arrive $0xFFFF  }
0xb6: {  	p0 =	sne.s32 s1, $0x0;
	_ =	strace $0x90000047  }
0xb7: {  	s0 =	sadd.s32 @!p0 $0x100000, s0;
	[bflag:$0x2] =	sbarrier.arrive $0xFFFF  }
0xb8: {  	[sflag:s0] =	ssyncadd.tile.s32 @!p0 $0x1;
	_ =	shalt  }
.Lfunc_end2:
_tile_overlayer_lowered:
.L_overlay_start_2:
0xb9: {  	(tag) =	ssettag $0x2  }
0xba: {  	s0 =	rddreg [dreg:$0x0];
	s2 =	stileid.u32  }
0xbb: {  	s1 =	rddreg [dreg:$0x1];
	p0 =	sne.s32 s2, $0x0  }
0xbc: {  	s3 =	rddreg [dreg:$0x2];
	[bflag:$0x3] =	sbarrier.arrive $0xFFFF;
	s2 =	simm.s32 @!p0 $0x1C01  }
0xbd: {  	[timem:s3], [sflag:s2] =	dma.local @!p0 [hbm:s0], s1  }
0xbe: {  	s0 =	simm.s32 @!p0 $0x1  }
0xbf: {  	_ =	swait.ge @!p0 [sflag:s0], s1  }
0xc0: {  	s1 =	ssub.s32 @!p0 $0x0, s1;
	[sflag:s0] =	ssyncset.done @!p0 $0x0  }
0xc1: {  	[sflag:s0] =	ssyncadd.s32 @!p0 s1  }
0xc2: {  	[bflag:$0x3] =	sbarrier.arrive $0xFFFF  }
0xc3: {  	_ =	shalt  }

</sc_bundles>
